<compile_context>
chip_gen: v7x
topology: tpu7x:2x2x1
jax: 0.10.2.dev20260603
libtpu: 0.0.44.dev20260713+nightly
codegen_flags: <defaults>
</compile_context>

<pallas_src>
import functools

import jax
import jax.numpy as jnp
from jax import lax
from jax.experimental import pallas as pl
from jax.experimental.pallas import tpu as pltpu
from jax.experimental.pallas import tpu_sc as plsc

VOCAB = 1000000
D = 64
DP = 128
N = 4096 * 50
NC, NS = 2, 16
NW = NC * NS
N_PER_W = N // NW
CH = 400
STEPS = N_PER_W // CH
NGP = STEPS // 2

_mesh = plsc.VectorSubcoreMesh(core_axis_name="c", subcore_axis_name="s")

@functools.partial(
    pl.kernel,
    mesh=_mesh,
    out_type=jax.ShapeDtypeStruct((4096, 50, D), jnp.float32),
    scratch_types=[
        pltpu.VMEM((STEPS, CH), jnp.int32),
        pltpu.VMEM((2, CH, DP), jnp.float32),
        pltpu.SemaphoreType.DMA,
        pltpu.SemaphoreType.DMA,
        pltpu.SemaphoreType.DMA,
        pltpu.SemaphoreType.DMA,
    ],
    compiler_params=pltpu.CompilerParams(use_tc_tiling_on_sc=False),
)
def _emb_lookup(idx_hbm, table_hbm, out_hbm, idx_v, rows_v,
                g0sem, g1sem, s0sem, s1sem):
    wid = lax.axis_index("s") * NC + lax.axis_index("c")
    bbase = wid * (N_PER_W // 50)
    bpg = CH // 50
    pltpu.sync_copy(idx_hbm.at[wid], idx_v)

    def fire(g, h, sem):
        pltpu.async_copy(table_hbm.at[idx_v.at[g]], rows_v.at[h], sem)

    def drain_gather(h, sem):
        pltpu.make_async_copy(
            table_hbm.at[idx_v.at[0]], rows_v.at[h], sem).wait()

    def scatter(g, h, sem):
        for j in range(bpg):
            pltpu.async_copy(
                rows_v.at[h, pl.ds(j * 50, 50), pl.ds(0, D)],
                out_hbm.at[bbase + g * bpg + j], sem)

    def drain_scatter(h, sem):
        for j in range(bpg):
            pltpu.make_async_copy(
                rows_v.at[h, pl.ds(j * 50, 50), pl.ds(0, D)],
                out_hbm.at[bbase], sem).wait()

    fire(0, 0, g0sem)

    def pair(p, _):
        g0 = 2 * p
        g1 = g0 + 1

        @pl.when(p > 0)
        def _():
            drain_scatter(1, s1sem)

        fire(g1, 1, g1sem)
        drain_gather(0, g0sem)
        scatter(g0, 0, s0sem)

        @pl.when(p + 1 < NGP)
        def _():
            drain_scatter(0, s0sem)
            fire(g0 + 2, 0, g0sem)

        drain_gather(1, g1sem)
        scatter(g1, 1, s1sem)
        return _

    lax.fori_loop(0, NGP, pair, None)
    drain_scatter(0, s0sem)
    drain_scatter(1, s1sem)


def kernel(x, lut):
    idx = x.reshape(N).astype(jnp.int32).reshape(NW, STEPS, CH)
    lut_p = jnp.pad(lut, ((0, 0), (0, DP - D)))
    return _emb_lookup(idx, lut_p)

# --- scband reference (transcript-rebuilt; emitter-appended) ---
"""Pipeline reference for scband-embeddings-60541859004518 (READ-ONLY COPY).

The authoritative reference and input builder live on the scoring server;
editing this copy changes nothing except your own understanding.
"""

import jax, jax.numpy as jnp
import numpy as np

VOCAB = 1000000
D_MODEL = 64
BATCH = 4096
SEQ = 50

def setup_inputs(seed: int = 0) -> dict:
    key = jax.random.key(seed)
    k_idx, k_lut = jax.random.split(key)
    x = jax.random.randint(k_idx, (BATCH, SEQ), 0, VOCAB, dtype=jnp.int64)
    lut = jax.random.normal(k_lut, (VOCAB, D_MODEL), dtype=jnp.float32)
    # padding_idx=0: row 0 is zeroed at init in nn.Embedding
    lut = lut.at[0].set(0.0)
    return {"x": x, "lut": lut}

def reference(x, lut):
    # nn.Embedding lookup: gather rows of the table
    return jnp.take(lut, x, axis=0)

if __name__ == "__main__":
    import jax
    _d = setup_inputs()
    print(jax.jit(kernel)(*tuple(_d.values())))

</pallas_src>

<mosaic_0001>
#map = affine_map<(d0, d1) -> (0, 0, 0)>
#map1 = affine_map<(d0, d1) -> (0, 0)>
module attributes {stable_mosaic.version = 14 : i64} {
  func.func @_emb_lookup(%arg0: i32, %arg1: i32, %arg2: memref<32x16x400xi32, #tpu.memory_space<hbm>>, %arg3: memref<1000000x128xf32, #tpu.memory_space<hbm>>, %arg4: memref<4096x50x64xf32, #tpu.memory_space<hbm>>, %arg5: memref<16x400xi32, #tpu.memory_space<vmem>>, %arg6: memref<2x400x128xf32, #tpu.memory_space<vmem>>, %arg7: memref<!tpu.dma_semaphore, #tpu.memory_space<semaphore_mem>>, %arg8: memref<!tpu.dma_semaphore, #tpu.memory_space<semaphore_mem>>, %arg9: memref<!tpu.dma_semaphore, #tpu.memory_space<semaphore_mem>>, %arg10: memref<!tpu.dma_semaphore, #tpu.memory_space<semaphore_mem>>) attributes {dimension_semantics = [#tpu.dimension_semantics<core_parallel>, #tpu.dimension_semantics<subcore_parallel>], iteration_bounds = array<i64: 2, 16>, scalar_prefetch = 0 : i64, scratch_operands = 6 : i64, tpu.core_type = #tpu.core_type<sc_vector_subcore>, window_params = [{transform_indices = #map}, {transform_indices = #map1}, {transform_indices = #map}]} {
    %mul3A = arith.constant 2 : i32
    %mul3A_0 = arith.muli %arg1, %mul3A : i32
    %add3A = arith.addi %mul3A_0, %arg0 : i32
    %mul3A_1 = arith.constant 128 : i32
    %mul3A_2 = arith.muli %add3A, %mul3A_1 : i32
    "tpu.region"() ({
      %run_scoped3A = tpu.sem_alloc : memref<!tpu.dma_semaphore, #tpu.memory_space<semaphore_mem>>
      %dma_start3A_289 = arith.constant 0 : i32
      %dma_start3A_290 = arith.constant 0 : i32
      %dma_start3A_291 = tpu.memref_slice %arg2[%add3A, %dma_start3A_289, %dma_start3A_290] : memref<32x16x400xi32, #tpu.memory_space<hbm>> -> memref<1x16x400xi32, #tpu.memory_space<hbm>>
      %dma_start3A_292 = tpu.memref_squeeze %dma_start3A_291 : memref<1x16x400xi32, #tpu.memory_space<hbm>> -> memref<16x400xi32, #tpu.memory_space<hbm>>
      %dma_start3A_293 = arith.constant 0 : i32
      %dma_start3A_294 = arith.constant 0 : i32
      %dma_start3A_295 = tpu.memref_slice %arg2[%add3A, %dma_start3A_293, %dma_start3A_294] : memref<32x16x400xi32, #tpu.memory_space<hbm>> -> memref<1x16x400xi32, #tpu.memory_space<hbm>>
      %dma_start3A_296 = tpu.memref_squeeze %dma_start3A_295 : memref<1x16x400xi32, #tpu.memory_space<hbm>> -> memref<16x400xi32, #tpu.memory_space<hbm>>
      tpu.enqueue_dma source(%dma_start3A_296 : memref<16x400xi32, #tpu.memory_space<hbm>>) target(%arg5 : memref<16x400xi32, #tpu.memory_space<vmem>>) target_semaphore(%run_scoped3A : memref<!tpu.dma_semaphore, #tpu.memory_space<semaphore_mem>>)
      %dma_wait3A_297 = arith.constant 0 : i32
      %dma_wait3A_298 = arith.constant 0 : i32
      %dma_wait3A_299 = tpu.memref_slice %arg2[%add3A, %dma_wait3A_297, %dma_wait3A_298] : memref<32x16x400xi32, #tpu.memory_space<hbm>> -> memref<1x16x400xi32, #tpu.memory_space<hbm>>
      %dma_wait3A_300 = tpu.memref_squeeze %dma_wait3A_299 : memref<1x16x400xi32, #tpu.memory_space<hbm>> -> memref<16x400xi32, #tpu.memory_space<hbm>>
      %dma_wait3A_301 = arith.constant 0 : i32
      %dma_wait3A_302 = arith.constant 0 : i32
      %dma_wait3A_303 = tpu.memref_slice %arg2[%add3A, %dma_wait3A_301, %dma_wait3A_302] : memref<32x16x400xi32, #tpu.memory_space<hbm>> -> memref<1x16x400xi32, #tpu.memory_space<hbm>>
      %dma_wait3A_304 = tpu.memref_squeeze %dma_wait3A_303 : memref<1x16x400xi32, #tpu.memory_space<hbm>> -> memref<16x400xi32, #tpu.memory_space<hbm>>
      tpu.wait_dma2 semaphore(%run_scoped3A : memref<!tpu.dma_semaphore, #tpu.memory_space<semaphore_mem>>) src(%dma_wait3A_304 : memref<16x400xi32, #tpu.memory_space<hbm>>) dst(%arg5 : memref<16x400xi32, #tpu.memory_space<vmem>>)
      tpu.yield
    }) : () -> ()
    %dma_start3A = arith.constant 0 : i32
    %dma_start3A_3 = arith.constant 0 : i32
    %dma_start3A_4 = arith.constant 0 : i32
    %dma_start3A_5 = arith.constant 0 : i32
    %dma_start3A_6 = tpu.memref_slice %arg6[%dma_start3A_3, %dma_start3A_4, %dma_start3A_5] : memref<2x400x128xf32, #tpu.memory_space<vmem>> -> memref<1x400x128xf32, #tpu.memory_space<vmem>>
    %dma_start3A_7 = tpu.memref_squeeze %dma_start3A_6 : memref<1x400x128xf32, #tpu.memory_space<vmem>> -> memref<400x128xf32, #tpu.memory_space<vmem>>
    %dma_start3A_8 = arith.constant 0 : i32
    %dma_start3A_9 = tpu.memref_slice %arg5[%dma_start3A, %dma_start3A_8] : memref<16x400xi32, #tpu.memory_space<vmem>> -> memref<1x400xi32, #tpu.memory_space<vmem>>
    %dma_start3A_10 = tpu.memref_squeeze %dma_start3A_9 : memref<1x400xi32, #tpu.memory_space<vmem>> -> memref<400xi32, #tpu.memory_space<vmem>>
    %dma_start3A_11 = arith.constant 0 : i32
    %dma_start3A_12 = arith.constant 0 : i32
    %dma_start3A_13 = tpu.memref_slice %arg3[%dma_start3A_11, %dma_start3A_12] : memref<1000000x128xf32, #tpu.memory_space<hbm>> -> memref<1000000x128xf32, #tpu.memory_space<hbm>>
    tpu.enqueue_indirect_dma source(%dma_start3A_13 : memref<1000000x128xf32, #tpu.memory_space<hbm>>) target(%dma_start3A_7 : memref<400x128xf32, #tpu.memory_space<vmem>>) offsets(%dma_start3A_10 : memref<400xi32, #tpu.memory_space<vmem>>) semaphore(%arg7 : memref<!tpu.dma_semaphore, #tpu.memory_space<semaphore_mem>>)
    %scan3A = arith.constant 0 : i32
    %scan3A_14 = arith.constant 8 : i32
    %scan3A_15 = arith.addi %scan3A, %scan3A_14 : i32
    %scan3A_16 = arith.constant 1 : i32
    scf.for %scan3A_289 = %scan3A to %scan3A_15 step %scan3A_16  : i32 {
      %mul3A_290 = arith.constant 2 : i32
      %mul3A_291 = arith.muli %mul3A_290, %scan3A_289 : i32
      %add3A_292 = arith.constant 1 : i32
      %add3A_293 = arith.addi %mul3A_291, %add3A_292 : i32
      %gt3A = arith.constant 0 : i32
      %gt3A_294 = arith.cmpi sgt, %scan3A_289, %gt3A : i32
      %convert_element_type3A = arith.extui %gt3A_294 : i1 to i32
      %cond3A = arith.constant 0 : i32
      %cond3A_295 = arith.cmpi ne, %convert_element_type3A, %cond3A : i32
      scf.if %cond3A_295 {
        %dma_wait3A_689 = arith.constant 1 : i32
        %dma_wait3A_690 = arith.constant 0 : i32
        %dma_wait3A_691 = arith.constant 0 : i32
        %dma_wait3A_692 = tpu.memref_slice %arg6[%dma_wait3A_689, %dma_wait3A_690, %dma_wait3A_691] : memref<2x400x128xf32, #tpu.memory_space<vmem>> -> memref<1x50x64xf32, #tpu.memory_space<vmem>>
        %dma_wait3A_693 = tpu.memref_squeeze %dma_wait3A_692 : memref<1x50x64xf32, #tpu.memory_space<vmem>> -> memref<50x64xf32, #tpu.memory_space<vmem>>
        %dma_wait3A_694 = arith.constant 0 : i32
        %dma_wait3A_695 = arith.constant 0 : i32
        %dma_wait3A_696 = tpu.memref_slice %arg4[%mul3A_2, %dma_wait3A_694, %dma_wait3A_695] : memref<4096x50x64xf32, #tpu.memory_space<hbm>> -> memref<1x50x64xf32, #tpu.memory_space<hbm>>
        %dma_wait3A_697 = tpu.memref_squeeze %dma_wait3A_696 : memref<1x50x64xf32, #tpu.memory_space<hbm>> -> memref<50x64xf32, #tpu.memory_space<hbm>>
        %dma_wait3A_698 = arith.constant 0 : i32
        %dma_wait3A_699 = arith.constant 0 : i32
        %dma_wait3A_700 = tpu.memref_slice %arg4[%mul3A_2, %dma_wait3A_698, %dma_wait3A_699] : memref<4096x50x64xf32, #tpu.memory_space<hbm>> -> memref<1x50x64xf32, #tpu.memory_space<hbm>>
        %dma_wait3A_701 = tpu.memref_squeeze %dma_wait3A_700 : memref<1x50x64xf32, #tpu.memory_space<hbm>> -> memref<50x64xf32, #tpu.memory_space<hbm>>
        %dma_wait3A_702 = arith.constant 0 : i32
        %dma_wait3A_703 = arith.constant 0 : i32
        %dma_wait3A_704 = tpu.memref_slice %arg6[%dma_wait3A_689, %dma_wait3A_702, %dma_wait3A_703] : memref<2x400x128xf32, #tpu.memory_space<vmem>> -> memref<1x50x64xf32, #tpu.memory_space<vmem>>
        %dma_wait3A_705 = tpu.memref_squeeze %dma_wait3A_704 : memref<1x50x64xf32, #tpu.memory_space<vmem>> -> memref<50x64xf32, #tpu.memory_space<vmem>>
        tpu.wait_dma2 semaphore(%arg10 : memref<!tpu.dma_semaphore, #tpu.memory_space<semaphore_mem>>) src(%dma_wait3A_705 : memref<50x64xf32, #tpu.memory_space<vmem>>) dst(%dma_wait3A_701 : memref<50x64xf32, #tpu.memory_space<hbm>>)
        %dma_wait3A_706 = arith.constant 1 : i32
        %dma_wait3A_707 = arith.constant 50 : i32
        %dma_wait3A_708 = arith.constant 0 : i32
        %dma_wait3A_709 = tpu.memref_slice %arg6[%dma_wait3A_706, %dma_wait3A_707, %dma_wait3A_708] : memref<2x400x128xf32, #tpu.memory_space<vmem>> -> memref<1x50x64xf32, #tpu.memory_space<vmem>>
        %dma_wait3A_710 = tpu.memref_squeeze %dma_wait3A_709 : memref<1x50x64xf32, #tpu.memory_space<vmem>> -> memref<50x64xf32, #tpu.memory_space<vmem>>
        %dma_wait3A_711 = arith.constant 0 : i32
        %dma_wait3A_712 = arith.constant 0 : i32
        %dma_wait3A_713 = tpu.memref_slice %arg4[%mul3A_2, %dma_wait3A_711, %dma_wait3A_712] : memref<4096x50x64xf32, #tpu.memory_space<hbm>> -> memref<1x50x64xf32, #tpu.memory_space<hbm>>
        %dma_wait3A_714 = tpu.memref_squeeze %dma_wait3A_713 : memref<1x50x64xf32, #tpu.memory_space<hbm>> -> memref<50x64xf32, #tpu.memory_space<hbm>>
        %dma_wait3A_715 = arith.constant 0 : i32
        %dma_wait3A_716 = arith.constant 0 : i32
        %dma_wait3A_717 = tpu.memref_slice %arg4[%mul3A_2, %dma_wait3A_715, %dma_wait3A_716] : memref<4096x50x64xf32, #tpu.memory_space<hbm>> -> memref<1x50x64xf32, #tpu.memory_space<hbm>>
        %dma_wait3A_718 = tpu.memref_squeeze %dma_wait3A_717 : memref<1x50x64xf32, #tpu.memory_space<hbm>> -> memref<50x64xf32, #tpu.memory_space<hbm>>
        %dma_wait3A_719 = arith.constant 50 : i32
        %dma_wait3A_720 = arith.constant 0 : i32
        %dma_wait3A_721 = tpu.memref_slice %arg6[%dma_wait3A_706, %dma_wait3A_719, %dma_wait3A_720] : memref<2x400x128xf32, #tpu.memory_space<vmem>> -> memref<1x50x64xf32, #tpu.memory_space<vmem>>
        %dma_wait3A_722 = tpu.memref_squeeze %dma_wait3A_721 : memref<1x50x64xf32, #tpu.memory_space<vmem>> -> memref<50x64xf32, #tpu.memory_space<vmem>>
        tpu.wait_dma2 semaphore(%arg10 : memref<!tpu.dma_semaphore, #tpu.memory_space<semaphore_mem>>) src(%dma_wait3A_722 : memref<50x64xf32, #tpu.memory_space<vmem>>) dst(%dma_wait3A_718 : memref<50x64xf32, #tpu.memory_space<hbm>>)
        %dma_wait3A_723 = arith.constant 1 : i32
        %dma_wait3A_724 = arith.constant 100 : i32
        %dma_wait3A_725 = arith.constant 0 : i32
        %dma_wait3A_726 = tpu.memref_slice %arg6[%dma_wait3A_723, %dma_wait3A_724, %dma_wait3A_725] : memref<2x400x128xf32, #tpu.memory_space<vmem>> -> memref<1x50x64xf32, #tpu.memory_space<vmem>>
        %dma_wait3A_727 = tpu.memref_squeeze %dma_wait3A_726 : memref<1x50x64xf32, #tpu.memory_space<vmem>> -> memref<50x64xf32, #tpu.memory_space<vmem>>
        %dma_wait3A_728 = arith.constant 0 : i32
        %dma_wait3A_729 = arith.constant 0 : i32
        %dma_wait3A_730 = tpu.memref_slice %arg4[%mul3A_2, %dma_wait3A_728, %dma_wait3A_729] : memref<4096x50x64xf32, #tpu.memory_space<hbm>> -> memref<1x50x64xf32, #tpu.memory_space<hbm>>
        %dma_wait3A_731 = tpu.memref_squeeze %dma_wait3A_730 : memref<1x50x64xf32, #tpu.memory_space<hbm>> -> memref<50x64xf32, #tpu.memory_space<hbm>>
        %dma_wait3A_732 = arith.constant 0 : i32
        %dma_wait3A_733 = arith.constant 0 : i32
        %dma_wait3A_734 = tpu.memref_slice %arg4[%mul3A_2, %dma_wait3A_732, %dma_wait3A_733] : memref<4096x50x64xf32, #tpu.memory_space<hbm>> -> memref<1x50x64xf32, #tpu.memory_space<hbm>>
        %dma_wait3A_735 = tpu.memref_squeeze %dma_wait3A_734 : memref<1x50x64xf32, #tpu.memory_space<hbm>> -> memref<50x64xf32, #tpu.memory_space<hbm>>
        %dma_wait3A_736 = arith.constant 100 : i32
        %dma_wait3A_737 = arith.constant 0 : i32
        %dma_wait3A_738 = tpu.memref_slice %arg6[%dma_wait3A_723, %dma_wait3A_736, %dma_wait3A_737] : memref<2x400x128xf32, #tpu.memory_space<vmem>> -> memref<1x50x64xf32, #tpu.memory_space<vmem>>
        %dma_wait3A_739 = tpu.memref_squeeze %dma_wait3A_738 : memref<1x50x64xf32, #tpu.memory_space<vmem>> -> memref<50x64xf32, #tpu.memory_space<vmem>>
        tpu.wait_dma2 semaphore(%arg10 : memref<!tpu.dma_semaphore, #tpu.memory_space<semaphore_mem>>) src(%dma_wait3A_739 : memref<50x64xf32, #tpu.memory_space<vmem>>) dst(%dma_wait3A_735 : memref<50x64xf32, #tpu.memory_space<hbm>>)
        %dma_wait3A_740 = arith.constant 1 : i32
        %dma_wait3A_741 = arith.constant 150 : i32
        %dma_wait3A_742 = arith.constant 0 : i32
        %dma_wait3A_743 = tpu.memref_slice %arg6[%dma_wait3A_740, %dma_wait3A_741, %dma_wait3A_742] : memref<2x400x128xf32, #tpu.memory_space<vmem>> -> memref<1x50x64xf32, #tpu.memory_space<vmem>>
        %dma_wait3A_744 = tpu.memref_squeeze %dma_wait3A_743 : memref<1x50x64xf32, #tpu.memory_space<vmem>> -> memref<50x64xf32, #tpu.memory_space<vmem>>
        %dma_wait3A_745 = arith.constant 0 : i32
        %dma_wait3A_746 = arith.constant 0 : i32
        %dma_wait3A_747 = tpu.memref_slice %arg4[%mul3A_2, %dma_wait3A_745, %dma_wait3A_746] : memref<4096x50x64xf32, #tpu.memory_space<hbm>> -> memref<1x50x64xf32, #tpu.memory_space<hbm>>
        %dma_wait3A_748 = tpu.memref_squeeze %dma_wait3A_747 : memref<1x50x64xf32, #tpu.memory_space<hbm>> -> memref<50x64xf32, #tpu.memory_space<hbm>>
        %dma_wait3A_749 = arith.constant 0 : i32
        %dma_wait3A_750 = arith.constant 0 : i32
        %dma_wait3A_751 = tpu.memref_slice %arg4[%mul3A_2, %dma_wait3A_749, %dma_wait3A_750] : memref<4096x50x64xf32, #tpu.memory_space<hbm>> -> memref<1x50x64xf32, #tpu.memory_space<hbm>>
        %dma_wait3A_752 = tpu.memref_squeeze %dma_wait3A_751 : memref<1x50x64xf32, #tpu.memory_space<hbm>> -> memref<50x64xf32, #tpu.memory_space<hbm>>
        %dma_wait3A_753 = arith.constant 150 : i32
        %dma_wait3A_754 = arith.constant 0 : i32
        %dma_wait3A_755 = tpu.memref_slice %arg6[%dma_wait3A_740, %dma_wait3A_753, %dma_wait3A_754] : memref<2x400x128xf32, #tpu.memory_space<vmem>> -> memref<1x50x64xf32, #tpu.memory_space<vmem>>
        %dma_wait3A_756 = tpu.memref_squeeze %dma_wait3A_755 : memref<1x50x64xf32, #tpu.memory_space<vmem>> -> memref<50x64xf32, #tpu.memory_space<vmem>>
        tpu.wait_dma2 semaphore(%arg10 : memref<!tpu.dma_semaphore, #tpu.memory_space<semaphore_mem>>) src(%dma_wait3A_756 : memref<50x64xf32, #tpu.memory_space<vmem>>) dst(%dma_wait3A_752 : memref<50x64xf32, #tpu.memory_space<hbm>>)
        %dma_wait3A_757 = arith.constant 1 : i32
        %dma_wait3A_758 = arith.constant 200 : i32
        %dma_wait3A_759 = arith.constant 0 : i32
        %dma_wait3A_760 = tpu.memref_slice %arg6[%dma_wait3A_757, %dma_wait3A_758, %dma_wait3A_759] : memref<2x400x128xf32, #tpu.memory_space<vmem>> -> memref<1x50x64xf32, #tpu.memory_space<vmem>>
        %dma_wait3A_761 = tpu.memref_squeeze %dma_wait3A_760 : memref<1x50x64xf32, #tpu.memory_space<vmem>> -> memref<50x64xf32, #tpu.memory_space<vmem>>
        %dma_wait3A_762 = arith.constant 0 : i32
        %dma_wait3A_763 = arith.constant 0 : i32
        %dma_wait3A_764 = tpu.memref_slice %arg4[%mul3A_2, %dma_wait3A_762, %dma_wait3A_763] : memref<4096x50x64xf32, #tpu.memory_space<hbm>> -> memref<1x50x64xf32, #tpu.memory_space<hbm>>
        %dma_wait3A_765 = tpu.memref_squeeze %dma_wait3A_764 : memref<1x50x64xf32, #tpu.memory_space<hbm>> -> memref<50x64xf32, #tpu.memory_space<hbm>>
        %dma_wait3A_766 = arith.constant 0 : i32
        %dma_wait3A_767 = arith.constant 0 : i32
        %dma_wait3A_768 = tpu.memref_slice %arg4[%mul3A_2, %dma_wait3A_766, %dma_wait3A_767] : memref<4096x50x64xf32, #tpu.memory_space<hbm>> -> memref<1x50x64xf32, #tpu.memory_space<hbm>>
        %dma_wait3A_769 = tpu.memref_squeeze %dma_wait3A_768 : memref<1x50x64xf32, #tpu.memory_space<hbm>> -> memref<50x64xf32, #tpu.memory_space<hbm>>
        %dma_wait3A_770 = arith.constant 200 : i32
        %dma_wait3A_771 = arith.constant 0 : i32
        %dma_wait3A_772 = tpu.memref_slice %arg6[%dma_wait3A_757, %dma_wait3A_770, %dma_wait3A_771] : memref<2x400x128xf32, #tpu.memory_space<vmem>> -> memref<1x50x64xf32, #tpu.memory_space<vmem>>
        %dma_wait3A_773 = tpu.memref_squeeze %dma_wait3A_772 : memref<1x50x64xf32, #tpu.memory_space<vmem>> -> memref<50x64xf32, #tpu.memory_space<vmem>>
        tpu.wait_dma2 semaphore(%arg10 : memref<!tpu.dma_semaphore, #tpu.memory_space<semaphore_mem>>) src(%dma_wait3A_773 : memref<50x64xf32, #tpu.memory_space<vmem>>) dst(%dma_wait3A_769 : memref<50x64xf32, #tpu.memory_space<hbm>>)
        %dma_wait3A_774 = arith.constant 1 : i32
        %dma_wait3A_775 = arith.constant 250 : i32
        %dma_wait3A_776 = arith.constant 0 : i32
        %dma_wait3A_777 = tpu.memref_slice %arg6[%dma_wait3A_774, %dma_wait3A_775, %dma_wait3A_776] : memref<2x400x128xf32, #tpu.memory_space<vmem>> -> memref<1x50x64xf32, #tpu.memory_space<vmem>>
        %dma_wait3A_778 = tpu.memref_squeeze %dma_wait3A_777 : memref<1x50x64xf32, #tpu.memory_space<vmem>> -> memref<50x64xf32, #tpu.memory_space<vmem>>
        %dma_wait3A_779 = arith.constant 0 : i32
        %dma_wait3A_780 = arith.constant 0 : i32
        %dma_wait3A_781 = tpu.memref_slice %arg4[%mul3A_2, %dma_wait3A_779, %dma_wait3A_780] : memref<4096x50x64xf32, #tpu.memory_space<hbm>> -> memref<1x50x64xf32, #tpu.memory_space<hbm>>
        %dma_wait3A_782 = tpu.memref_squeeze %dma_wait3A_781 : memref<1x50x64xf32, #tpu.memory_space<hbm>> -> memref<50x64xf32, #tpu.memory_space<hbm>>
        %dma_wait3A_783 = arith.constant 0 : i32
        %dma_wait3A_784 = arith.constant 0 : i32
        %dma_wait3A_785 = tpu.memref_slice %arg4[%mul3A_2, %dma_wait3A_783, %dma_wait3A_784] : memref<4096x50x64xf32, #tpu.memory_space<hbm>> -> memref<1x50x64xf32, #tpu.memory_space<hbm>>
        %dma_wait3A_786 = tpu.memref_squeeze %dma_wait3A_785 : memref<1x50x64xf32, #tpu.memory_space<hbm>> -> memref<50x64xf32, #tpu.memory_space<hbm>>
        %dma_wait3A_787 = arith.constant 250 : i32
        %dma_wait3A_788 = arith.constant 0 : i32
        %dma_wait3A_789 = tpu.memref_slice %arg6[%dma_wait3A_774, %dma_wait3A_787, %dma_wait3A_788] : memref<2x400x128xf32, #tpu.memory_space<vmem>> -> memref<1x50x64xf32, #tpu.memory_space<vmem>>
        %dma_wait3A_790 = tpu.memref_squeeze %dma_wait3A_789 : memref<1x50x64xf32, #tpu.memory_space<vmem>> -> memref<50x64xf32, #tpu.memory_space<vmem>>
        tpu.wait_dma2 semaphore(%arg10 : memref<!tpu.dma_semaphore, #tpu.memory_space<semaphore_mem>>) src(%dma_wait3A_790 : memref<50x64xf32, #tpu.memory_space<vmem>>) dst(%dma_wait3A_786 : memref<50x64xf32, #tpu.memory_space<hbm>>)
        %dma_wait3A_791 = arith.constant 1 : i32
        %dma_wait3A_792 = arith.constant 300 : i32
        %dma_wait3A_793 = arith.constant 0 : i32
        %dma_wait3A_794 = tpu.memref_slice %arg6[%dma_wait3A_791, %dma_wait3A_792, %dma_wait3A_793] : memref<2x400x128xf32, #tpu.memory_space<vmem>> -> memref<1x50x64xf32, #tpu.memory_space<vmem>>
        %dma_wait3A_795 = tpu.memref_squeeze %dma_wait3A_794 : memref<1x50x64xf32, #tpu.memory_space<vmem>> -> memref<50x64xf32, #tpu.memory_space<vmem>>
        %dma_wait3A_796 = arith.constant 0 : i32
        %dma_wait3A_797 = arith.constant 0 : i32
        %dma_wait3A_798 = tpu.memref_slice %arg4[%mul3A_2, %dma_wait3A_796, %dma_wait3A_797] : memref<4096x50x64xf32, #tpu.memory_space<hbm>> -> memref<1x50x64xf32, #tpu.memory_space<hbm>>
        %dma_wait3A_799 = tpu.memref_squeeze %dma_wait3A_798 : memref<1x50x64xf32, #tpu.memory_space<hbm>> -> memref<50x64xf32, #tpu.memory_space<hbm>>
        %dma_wait3A_800 = arith.constant 0 : i32
        %dma_wait3A_801 = arith.constant 0 : i32
        %dma_wait3A_802 = tpu.memref_slice %arg4[%mul3A_2, %dma_wait3A_800, %dma_wait3A_801] : memref<4096x50x64xf32, #tpu.memory_space<hbm>> -> memref<1x50x64xf32, #tpu.memory_space<hbm>>
        %dma_wait3A_803 = tpu.memref_squeeze %dma_wait3A_802 : memref<1x50x64xf32, #tpu.memory_space<hbm>> -> memref<50x64xf32, #tpu.memory_space<hbm>>
        %dma_wait3A_804 = arith.constant 300 : i32
        %dma_wait3A_805 = arith.constant 0 : i32
        %dma_wait3A_806 = tpu.memref_slice %arg6[%dma_wait3A_791, %dma_wait3A_804, %dma_wait3A_805] : memref<2x400x128xf32, #tpu.memory_space<vmem>> -> memref<1x50x64xf32, #tpu.memory_space<vmem>>
        %dma_wait3A_807 = tpu.memref_squeeze %dma_wait3A_806 : memref<1x50x64xf32, #tpu.memory_space<vmem>> -> memref<50x64xf32, #tpu.memory_space<vmem>>
        tpu.wait_dma2 semaphore(%arg10 : memref<!tpu.dma_semaphore, #tpu.memory_space<semaphore_mem>>) src(%dma_wait3A_807 : memref<50x64xf32, #tpu.memory_space<vmem>>) dst(%dma_wait3A_803 : memref<50x64xf32, #tpu.memory_space<hbm>>)
        %dma_wait3A_808 = arith.constant 1 : i32
        %dma_wait3A_809 = arith.constant 350 : i32
        %dma_wait3A_810 = arith.constant 0 : i32
        %dma_wait3A_811 = tpu.memref_slice %arg6[%dma_wait3A_808, %dma_wait3A_809, %dma_wait3A_810] : memref<2x400x128xf32, #tpu.memory_space<vmem>> -> memref<1x50x64xf32, #tpu.memory_space<vmem>>
        %dma_wait3A_812 = tpu.memref_squeeze %dma_wait3A_811 : memref<1x50x64xf32, #tpu.memory_space<vmem>> -> memref<50x64xf32, #tpu.memory_space<vmem>>
        %dma_wait3A_813 = arith.constant 0 : i32
        %dma_wait3A_814 = arith.constant 0 : i32
        %dma_wait3A_815 = tpu.memref_slice %arg4[%mul3A_2, %dma_wait3A_813, %dma_wait3A_814] : memref<4096x50x64xf32, #tpu.memory_space<hbm>> -> memref<1x50x64xf32, #tpu.memory_space<hbm>>
        %dma_wait3A_816 = tpu.memref_squeeze %dma_wait3A_815 : memref<1x50x64xf32, #tpu.memory_space<hbm>> -> memref<50x64xf32, #tpu.memory_space<hbm>>
        %dma_wait3A_817 = arith.constant 0 : i32
        %dma_wait3A_818 = arith.constant 0 : i32
        %dma_wait3A_819 = tpu.memref_slice %arg4[%mul3A_2, %dma_wait3A_817, %dma_wait3A_818] : memref<4096x50x64xf32, #tpu.memory_space<hbm>> -> memref<1x50x64xf32, #tpu.memory_space<hbm>>
        %dma_wait3A_820 = tpu.memref_squeeze %dma_wait3A_819 : memref<1x50x64xf32, #tpu.memory_space<hbm>> -> memref<50x64xf32, #tpu.memory_space<hbm>>
        %dma_wait3A_821 = arith.constant 350 : i32
        %dma_wait3A_822 = arith.constant 0 : i32
        %dma_wait3A_823 = tpu.memref_slice %arg6[%dma_wait3A_808, %dma_wait3A_821, %dma_wait3A_822] : memref<2x400x128xf32, #tpu.memory_space<vmem>> -> memref<1x50x64xf32, #tpu.memory_space<vmem>>
        %dma_wait3A_824 = tpu.memref_squeeze %dma_wait3A_823 : memref<1x50x64xf32, #tpu.memory_space<vmem>> -> memref<50x64xf32, #tpu.memory_space<vmem>>
        tpu.wait_dma2 semaphore(%arg10 : memref<!tpu.dma_semaphore, #tpu.memory_space<semaphore_mem>>) src(%dma_wait3A_824 : memref<50x64xf32, #tpu.memory_space<vmem>>) dst(%dma_wait3A_820 : memref<50x64xf32, #tpu.memory_space<hbm>>)
      } else {
      }
      %dma_start3A_296 = arith.constant 1 : i32
      %dma_start3A_297 = arith.constant 0 : i32
      %dma_start3A_298 = arith.constant 0 : i32
      %dma_start3A_299 = tpu.memref_slice %arg6[%dma_start3A_296, %dma_start3A_297, %dma_start3A_298] : memref<2x400x128xf32, #tpu.memory_space<vmem>> -> memref<1x400x128xf32, #tpu.memory_space<vmem>>
      %dma_start3A_300 = tpu.memref_squeeze %dma_start3A_299 : memref<1x400x128xf32, #tpu.memory_space<vmem>> -> memref<400x128xf32, #tpu.memory_space<vmem>>
      %dma_start3A_301 = arith.constant 0 : i32
      %dma_start3A_302 = tpu.memref_slice %arg5[%add3A_293, %dma_start3A_301] : memref<16x400xi32, #tpu.memory_space<vmem>> -> memref<1x400xi32, #tpu.memory_space<vmem>>
      %dma_start3A_303 = tpu.memref_squeeze %dma_start3A_302 : memref<1x400xi32, #tpu.memory_space<vmem>> -> memref<400xi32, #tpu.memory_space<vmem>>
      %dma_start3A_304 = arith.constant 0 : i32
      %dma_start3A_305 = arith.constant 0 : i32
      %dma_start3A_306 = tpu.memref_slice %arg3[%dma_start3A_304, %dma_start3A_305] : memref<1000000x128xf32, #tpu.memory_space<hbm>> -> memref<1000000x128xf32, #tpu.memory_space<hbm>>
      tpu.enqueue_indirect_dma source(%dma_start3A_306 : memref<1000000x128xf32, #tpu.memory_space<hbm>>) target(%dma_start3A_300 : memref<400x128xf32, #tpu.memory_space<vmem>>) offsets(%dma_start3A_303 : memref<400xi32, #tpu.memory_space<vmem>>) semaphore(%arg8 : memref<!tpu.dma_semaphore, #tpu.memory_space<semaphore_mem>>)
      %dma_wait3A_307 = arith.constant 0 : i32
      %dma_wait3A_308 = arith.constant 0 : i32
      %dma_wait3A_309 = arith.constant 0 : i32
      %dma_wait3A_310 = arith.constant 0 : i32
      %dma_wait3A_311 = tpu.memref_slice %arg6[%dma_wait3A_308, %dma_wait3A_309, %dma_wait3A_310] : memref<2x400x128xf32, #tpu.memory_space<vmem>> -> memref<1x400x128xf32, #tpu.memory_space<vmem>>
      %dma_wait3A_312 = tpu.memref_squeeze %dma_wait3A_311 : memref<1x400x128xf32, #tpu.memory_space<vmem>> -> memref<400x128xf32, #tpu.memory_space<vmem>>
      %dma_wait3A_313 = arith.constant 0 : i32
      %dma_wait3A_314 = tpu.memref_slice %arg5[%dma_wait3A_307, %dma_wait3A_313] : memref<16x400xi32, #tpu.memory_space<vmem>> -> memref<1x400xi32, #tpu.memory_space<vmem>>
      %dma_wait3A_315 = tpu.memref_squeeze %dma_wait3A_314 : memref<1x400xi32, #tpu.memory_space<vmem>> -> memref<400xi32, #tpu.memory_space<vmem>>
      %dma_wait3A_316 = arith.constant 0 : i32
      %dma_wait3A_317 = arith.constant 0 : i32
      %dma_wait3A_318 = tpu.memref_slice %arg3[%dma_wait3A_316, %dma_wait3A_317] : memref<1000000x128xf32, #tpu.memory_space<hbm>> -> memref<1000000x128xf32, #tpu.memory_space<hbm>>
      tpu.wait_indirect_dma semaphore(%arg7 : memref<!tpu.dma_semaphore, #tpu.memory_space<semaphore_mem>>) src(%dma_wait3A_318 : memref<1000000x128xf32, #tpu.memory_space<hbm>>) dst(%dma_wait3A_312 : memref<400x128xf32, #tpu.memory_space<vmem>>)
      %mul3A_319 = arith.constant 8 : i32
      %mul3A_320 = arith.muli %mul3A_291, %mul3A_319 : i32
      %add3A_321 = arith.addi %mul3A_2, %mul3A_320 : i32
      %add3A_322 = arith.constant 0 : i32
      %add3A_323 = arith.addi %add3A_321, %add3A_322 : i32
      %dma_start3A_324 = arith.constant 0 : i32
      %dma_start3A_325 = arith.constant 0 : i32
      %dma_start3A_326 = arith.constant 0 : i32
      %dma_start3A_327 = tpu.memref_slice %arg6[%dma_start3A_324, %dma_start3A_325, %dma_start3A_326] : memref<2x400x128xf32, #tpu.memory_space<vmem>> -> memref<1x50x64xf32, #tpu.memory_space<vmem>>
      %dma_start3A_328 = tpu.memref_squeeze %dma_start3A_327 : memref<1x50x64xf32, #tpu.memory_space<vmem>> -> memref<50x64xf32, #tpu.memory_space<vmem>>
      %dma_start3A_329 = arith.constant 0 : i32
      %dma_start3A_330 = arith.constant 0 : i32
      %dma_start3A_331 = tpu.memref_slice %arg4[%add3A_323, %dma_start3A_329, %dma_start3A_330] : memref<4096x50x64xf32, #tpu.memory_space<hbm>> -> memref<1x50x64xf32, #tpu.memory_space<hbm>>
      %dma_start3A_332 = tpu.memref_squeeze %dma_start3A_331 : memref<1x50x64xf32, #tpu.memory_space<hbm>> -> memref<50x64xf32, #tpu.memory_space<hbm>>
      %dma_start3A_333 = arith.constant 0 : i32
      %dma_start3A_334 = arith.constant 0 : i32
      %dma_start3A_335 = tpu.memref_slice %arg4[%add3A_323, %dma_start3A_333, %dma_start3A_334] : memref<4096x50x64xf32, #tpu.memory_space<hbm>> -> memref<1x50x64xf32, #tpu.memory_space<hbm>>
      %dma_start3A_336 = tpu.memref_squeeze %dma_start3A_335 : memref<1x50x64xf32, #tpu.memory_space<hbm>> -> memref<50x64xf32, #tpu.memory_space<hbm>>
      %dma_start3A_337 = arith.constant 0 : i32
      %dma_start3A_338 = arith.constant 0 : i32
      %dma_start3A_339 = tpu.memref_slice %arg6[%dma_start3A_324, %dma_start3A_337, %dma_start3A_338] : memref<2x400x128xf32, #tpu.memory_space<vmem>> -> memref<1x50x64xf32, #tpu.memory_space<vmem>>
      %dma_start3A_340 = tpu.memref_squeeze %dma_start3A_339 : memref<1x50x64xf32, #tpu.memory_space<vmem>> -> memref<50x64xf32, #tpu.memory_space<vmem>>
      tpu.enqueue_dma source(%dma_start3A_340 : memref<50x64xf32, #tpu.memory_space<vmem>>) target(%dma_start3A_336 : memref<50x64xf32, #tpu.memory_space<hbm>>) target_semaphore(%arg9 : memref<!tpu.dma_semaphore, #tpu.memory_space<semaphore_mem>>)
      %mul3A_341 = arith.constant 8 : i32
      %mul3A_342 = arith.muli %mul3A_291, %mul3A_341 : i32
      %add3A_343 = arith.addi %mul3A_2, %mul3A_342 : i32
      %add3A_344 = arith.constant 1 : i32
      %add3A_345 = arith.addi %add3A_343, %add3A_344 : i32
      %dma_start3A_346 = arith.constant 0 : i32
      %dma_start3A_347 = arith.constant 50 : i32
      %dma_start3A_348 = arith.constant 0 : i32
      %dma_start3A_349 = tpu.memref_slice %arg6[%dma_start3A_346, %dma_start3A_347, %dma_start3A_348] : memref<2x400x128xf32, #tpu.memory_space<vmem>> -> memref<1x50x64xf32, #tpu.memory_space<vmem>>
      %dma_start3A_350 = tpu.memref_squeeze %dma_start3A_349 : memref<1x50x64xf32, #tpu.memory_space<vmem>> -> memref<50x64xf32, #tpu.memory_space<vmem>>
      %dma_start3A_351 = arith.constant 0 : i32
      %dma_start3A_352 = arith.constant 0 : i32
      %dma_start3A_353 = tpu.memref_slice %arg4[%add3A_345, %dma_start3A_351, %dma_start3A_352] : memref<4096x50x64xf32, #tpu.memory_space<hbm>> -> memref<1x50x64xf32, #tpu.memory_space<hbm>>
      %dma_start3A_354 = tpu.memref_squeeze %dma_start3A_353 : memref<1x50x64xf32, #tpu.memory_space<hbm>> -> memref<50x64xf32, #tpu.memory_space<hbm>>
      %dma_start3A_355 = arith.constant 0 : i32
      %dma_start3A_356 = arith.constant 0 : i32
      %dma_start3A_357 = tpu.memref_slice %arg4[%add3A_345, %dma_start3A_355, %dma_start3A_356] : memref<4096x50x64xf32, #tpu.memory_space<hbm>> -> memref<1x50x64xf32, #tpu.memory_space<hbm>>
      %dma_start3A_358 = tpu.memref_squeeze %dma_start3A_357 : memref<1x50x64xf32, #tpu.memory_space<hbm>> -> memref<50x64xf32, #tpu.memory_space<hbm>>
      %dma_start3A_359 = arith.constant 50 : i32
      %dma_start3A_360 = arith.constant 0 : i32
      %dma_start3A_361 = tpu.memref_slice %arg6[%dma_start3A_346, %dma_start3A_359, %dma_start3A_360] : memref<2x400x128xf32, #tpu.memory_space<vmem>> -> memref<1x50x64xf32, #tpu.memory_space<vmem>>
      %dma_start3A_362 = tpu.memref_squeeze %dma_start3A_361 : memref<1x50x64xf32, #tpu.memory_space<vmem>> -> memref<50x64xf32, #tpu.memory_space<vmem>>
      tpu.enqueue_dma source(%dma_start3A_362 : memref<50x64xf32, #tpu.memory_space<vmem>>) target(%dma_start3A_358 : memref<50x64xf32, #tpu.memory_space<hbm>>) target_semaphore(%arg9 : memref<!tpu.dma_semaphore, #tpu.memory_space<semaphore_mem>>)
      %mul3A_363 = arith.constant 8 : i32
      %mul3A_364 = arith.muli %mul3A_291, %mul3A_363 : i32
      %add3A_365 = arith.addi %mul3A_2, %mul3A_364 : i32
      %add3A_366 = arith.constant 2 : i32
      %add3A_367 = arith.addi %add3A_365, %add3A_366 : i32
      %dma_start3A_368 = arith.constant 0 : i32
      %dma_start3A_369 = arith.constant 100 : i32
      %dma_start3A_370 = arith.constant 0 : i32
      %dma_start3A_371 = tpu.memref_slice %arg6[%dma_start3A_368, %dma_start3A_369, %dma_start3A_370] : memref<2x400x128xf32, #tpu.memory_space<vmem>> -> memref<1x50x64xf32, #tpu.memory_space<vmem>>
      %dma_start3A_372 = tpu.memref_squeeze %dma_start3A_371 : memref<1x50x64xf32, #tpu.memory_space<vmem>> -> memref<50x64xf32, #tpu.memory_space<vmem>>
      %dma_start3A_373 = arith.constant 0 : i32
      %dma_start3A_374 = arith.constant 0 : i32
      %dma_start3A_375 = tpu.memref_slice %arg4[%add3A_367, %dma_start3A_373, %dma_start3A_374] : memref<4096x50x64xf32, #tpu.memory_space<hbm>> -> memref<1x50x64xf32, #tpu.memory_space<hbm>>
      %dma_start3A_376 = tpu.memref_squeeze %dma_start3A_375 : memref<1x50x64xf32, #tpu.memory_space<hbm>> -> memref<50x64xf32, #tpu.memory_space<hbm>>
      %dma_start3A_377 = arith.constant 0 : i32
      %dma_start3A_378 = arith.constant 0 : i32
      %dma_start3A_379 = tpu.memref_slice %arg4[%add3A_367, %dma_start3A_377, %dma_start3A_378] : memref<4096x50x64xf32, #tpu.memory_space<hbm>> -> memref<1x50x64xf32, #tpu.memory_space<hbm>>
      %dma_start3A_380 = tpu.memref_squeeze %dma_start3A_379 : memref<1x50x64xf32, #tpu.memory_space<hbm>> -> memref<50x64xf32, #tpu.memory_space<hbm>>
      %dma_start3A_381 = arith.constant 100 : i32
      %dma_start3A_382 = arith.constant 0 : i32
      %dma_start3A_383 = tpu.memref_slice %arg6[%dma_start3A_368, %dma_start3A_381, %dma_start3A_382] : memref<2x400x128xf32, #tpu.memory_space<vmem>> -> memref<1x50x64xf32, #tpu.memory_space<vmem>>
      %dma_start3A_384 = tpu.memref_squeeze %dma_start3A_383 : memref<1x50x64xf32, #tpu.memory_space<vmem>> -> memref<50x64xf32, #tpu.memory_space<vmem>>
      tpu.enqueue_dma source(%dma_start3A_384 : memref<50x64xf32, #tpu.memory_space<vmem>>) target(%dma_start3A_380 : memref<50x64xf32, #tpu.memory_space<hbm>>) target_semaphore(%arg9 : memref<!tpu.dma_semaphore, #tpu.memory_space<semaphore_mem>>)
      %mul3A_385 = arith.constant 8 : i32
      %mul3A_386 = arith.muli %mul3A_291, %mul3A_385 : i32
      %add3A_387 = arith.addi %mul3A_2, %mul3A_386 : i32
      %add3A_388 = arith.constant 3 : i32
      %add3A_389 = arith.addi %add3A_387, %add3A_388 : i32
      %dma_start3A_390 = arith.constant 0 : i32
      %dma_start3A_391 = arith.constant 150 : i32
      %dma_start3A_392 = arith.constant 0 : i32
      %dma_start3A_393 = tpu.memref_slice %arg6[%dma_start3A_390, %dma_start3A_391, %dma_start3A_392] : memref<2x400x128xf32, #tpu.memory_space<vmem>> -> memref<1x50x64xf32, #tpu.memory_space<vmem>>
      %dma_start3A_394 = tpu.memref_squeeze %dma_start3A_393 : memref<1x50x64xf32, #tpu.memory_space<vmem>> -> memref<50x64xf32, #tpu.memory_space<vmem>>
      %dma_start3A_395 = arith.constant 0 : i32
      %dma_start3A_396 = arith.constant 0 : i32
      %dma_start3A_397 = tpu.memref_slice %arg4[%add3A_389, %dma_start3A_395, %dma_start3A_396] : memref<4096x50x64xf32, #tpu.memory_space<hbm>> -> memref<1x50x64xf32, #tpu.memory_space<hbm>>
      %dma_start3A_398 = tpu.memref_squeeze %dma_start3A_397 : memref<1x50x64xf32, #tpu.memory_space<hbm>> -> memref<50x64xf32, #tpu.memory_space<hbm>>
      %dma_start3A_399 = arith.constant 0 : i32
      %dma_start3A_400 = arith.constant 0 : i32
      %dma_start3A_401 = tpu.memref_slice %arg4[%add3A_389, %dma_start3A_399, %dma_start3A_400] : memref<4096x50x64xf32, #tpu.memory_space<hbm>> -> memref<1x50x64xf32, #tpu.memory_space<hbm>>
      %dma_start3A_402 = tpu.memref_squeeze %dma_start3A_401 : memref<1x50x64xf32, #tpu.memory_space<hbm>> -> memref<50x64xf32, #tpu.memory_space<hbm>>
      %dma_start3A_403 = arith.constant 150 : i32
      %dma_start3A_404 = arith.constant 0 : i32
      %dma_start3A_405 = tpu.memref_slice %arg6[%dma_start3A_390, %dma_start3A_403, %dma_start3A_404] : memref<2x400x128xf32, #tpu.memory_space<vmem>> -> memref<1x50x64xf32, #tpu.memory_space<vmem>>
      %dma_start3A_406 = tpu.memref_squeeze %dma_start3A_405 : memref<1x50x64xf32, #tpu.memory_space<vmem>> -> memref<50x64xf32, #tpu.memory_space<vmem>>
      tpu.enqueue_dma source(%dma_start3A_406 : memref<50x64xf32, #tpu.memory_space<vmem>>) target(%dma_start3A_402 : memref<50x64xf32, #tpu.memory_space<hbm>>) target_semaphore(%arg9 : memref<!tpu.dma_semaphore, #tpu.memory_space<semaphore_mem>>)
      %mul3A_407 = arith.constant 8 : i32
      %mul3A_408 = arith.muli %mul3A_291, %mul3A_407 : i32
      %add3A_409 = arith.addi %mul3A_2, %mul3A_408 : i32
      %add3A_410 = arith.constant 4 : i32
      %add3A_411 = arith.addi %add3A_409, %add3A_410 : i32
      %dma_start3A_412 = arith.constant 0 : i32
      %dma_start3A_413 = arith.constant 200 : i32
      %dma_start3A_414 = arith.constant 0 : i32
      %dma_start3A_415 = tpu.memref_slice %arg6[%dma_start3A_412, %dma_start3A_413, %dma_start3A_414] : memref<2x400x128xf32, #tpu.memory_space<vmem>> -> memref<1x50x64xf32, #tpu.memory_space<vmem>>
      %dma_start3A_416 = tpu.memref_squeeze %dma_start3A_415 : memref<1x50x64xf32, #tpu.memory_space<vmem>> -> memref<50x64xf32, #tpu.memory_space<vmem>>
      %dma_start3A_417 = arith.constant 0 : i32
      %dma_start3A_418 = arith.constant 0 : i32
      %dma_start3A_419 = tpu.memref_slice %arg4[%add3A_411, %dma_start3A_417, %dma_start3A_418] : memref<4096x50x64xf32, #tpu.memory_space<hbm>> -> memref<1x50x64xf32, #tpu.memory_space<hbm>>
      %dma_start3A_420 = tpu.memref_squeeze %dma_start3A_419 : memref<1x50x64xf32, #tpu.memory_space<hbm>> -> memref<50x64xf32, #tpu.memory_space<hbm>>
      %dma_start3A_421 = arith.constant 0 : i32
      %dma_start3A_422 = arith.constant 0 : i32
      %dma_start3A_423 = tpu.memref_slice %arg4[%add3A_411, %dma_start3A_421, %dma_start3A_422] : memref<4096x50x64xf32, #tpu.memory_space<hbm>> -> memref<1x50x64xf32, #tpu.memory_space<hbm>>
      %dma_start3A_424 = tpu.memref_squeeze %dma_start3A_423 : memref<1x50x64xf32, #tpu.memory_space<hbm>> -> memref<50x64xf32, #tpu.memory_space<hbm>>
      %dma_start3A_425 = arith.constant 200 : i32
      %dma_start3A_426 = arith.constant 0 : i32
      %dma_start3A_427 = tpu.memref_slice %arg6[%dma_start3A_412, %dma_start3A_425, %dma_start3A_426] : memref<2x400x128xf32, #tpu.memory_space<vmem>> -> memref<1x50x64xf32, #tpu.memory_space<vmem>>
      %dma_start3A_428 = tpu.memref_squeeze %dma_start3A_427 : memref<1x50x64xf32, #tpu.memory_space<vmem>> -> memref<50x64xf32, #tpu.memory_space<vmem>>
      tpu.enqueue_dma source(%dma_start3A_428 : memref<50x64xf32, #tpu.memory_space<vmem>>) target(%dma_start3A_424 : memref<50x64xf32, #tpu.memory_space<hbm>>) target_semaphore(%arg9 : memref<!tpu.dma_semaphore, #tpu.memory_space<semaphore_mem>>)
      %mul3A_429 = arith.constant 8 : i32
      %mul3A_430 = arith.muli %mul3A_291, %mul3A_429 : i32
      %add3A_431 = arith.addi %mul3A_2, %mul3A_430 : i32
      %add3A_432 = arith.constant 5 : i32
      %add3A_433 = arith.addi %add3A_431, %add3A_432 : i32
      %dma_start3A_434 = arith.constant 0 : i32
      %dma_start3A_435 = arith.constant 250 : i32
      %dma_start3A_436 = arith.constant 0 : i32
      %dma_start3A_437 = tpu.memref_slice %arg6[%dma_start3A_434, %dma_start3A_435, %dma_start3A_436] : memref<2x400x128xf32, #tpu.memory_space<vmem>> -> memref<1x50x64xf32, #tpu.memory_space<vmem>>
      %dma_start3A_438 = tpu.memref_squeeze %dma_start3A_437 : memref<1x50x64xf32, #tpu.memory_space<vmem>> -> memref<50x64xf32, #tpu.memory_space<vmem>>
      %dma_start3A_439 = arith.constant 0 : i32
      %dma_start3A_440 = arith.constant 0 : i32
      %dma_start3A_441 = tpu.memref_slice %arg4[%add3A_433, %dma_start3A_439, %dma_start3A_440] : memref<4096x50x64xf32, #tpu.memory_space<hbm>> -> memref<1x50x64xf32, #tpu.memory_space<hbm>>
      %dma_start3A_442 = tpu.memref_squeeze %dma_start3A_441 : memref<1x50x64xf32, #tpu.memory_space<hbm>> -> memref<50x64xf32, #tpu.memory_space<hbm>>
      %dma_start3A_443 = arith.constant 0 : i32
      %dma_start3A_444 = arith.constant 0 : i32
      %dma_start3A_445 = tpu.memref_slice %arg4[%add3A_433, %dma_start3A_443, %dma_start3A_444] : memref<4096x50x64xf32, #tpu.memory_space<hbm>> -> memref<1x50x64xf32, #tpu.memory_space<hbm>>
      %dma_start3A_446 = tpu.memref_squeeze %dma_start3A_445 : memref<1x50x64xf32, #tpu.memory_space<hbm>> -> memref<50x64xf32, #tpu.memory_space<hbm>>
      %dma_start3A_447 = arith.constant 250 : i32
      %dma_start3A_448 = arith.constant 0 : i32
      %dma_start3A_449 = tpu.memref_slice %arg6[%dma_start3A_434, %dma_start3A_447, %dma_start3A_448] : memref<2x400x128xf32, #tpu.memory_space<vmem>> -> memref<1x50x64xf32, #tpu.memory_space<vmem>>
      %dma_start3A_450 = tpu.memref_squeeze %dma_start3A_449 : memref<1x50x64xf32, #tpu.memory_space<vmem>> -> memref<50x64xf32, #tpu.memory_space<vmem>>
      tpu.enqueue_dma source(%dma_start3A_450 : memref<50x64xf32, #tpu.memory_space<vmem>>) target(%dma_start3A_446 : memref<50x64xf32, #tpu.memory_space<hbm>>) target_semaphore(%arg9 : memref<!tpu.dma_semaphore, #tpu.memory_space<semaphore_mem>>)
      %mul3A_451 = arith.constant 8 : i32
      %mul3A_452 = arith.muli %mul3A_291, %mul3A_451 : i32
      %add3A_453 = arith.addi %mul3A_2, %mul3A_452 : i32
      %add3A_454 = arith.constant 6 : i32
      %add3A_455 = arith.addi %add3A_453, %add3A_454 : i32
      %dma_start3A_456 = arith.constant 0 : i32
      %dma_start3A_457 = arith.constant 300 : i32
      %dma_start3A_458 = arith.constant 0 : i32
      %dma_start3A_459 = tpu.memref_slice %arg6[%dma_start3A_456, %dma_start3A_457, %dma_start3A_458] : memref<2x400x128xf32, #tpu.memory_space<vmem>> -> memref<1x50x64xf32, #tpu.memory_space<vmem>>
      %dma_start3A_460 = tpu.memref_squeeze %dma_start3A_459 : memref<1x50x64xf32, #tpu.memory_space<vmem>> -> memref<50x64xf32, #tpu.memory_space<vmem>>
      %dma_start3A_461 = arith.constant 0 : i32
      %dma_start3A_462 = arith.constant 0 : i32
      %dma_start3A_463 = tpu.memref_slice %arg4[%add3A_455, %dma_start3A_461, %dma_start3A_462] : memref<4096x50x64xf32, #tpu.memory_space<hbm>> -> memref<1x50x64xf32, #tpu.memory_space<hbm>>
      %dma_start3A_464 = tpu.memref_squeeze %dma_start3A_463 : memref<1x50x64xf32, #tpu.memory_space<hbm>> -> memref<50x64xf32, #tpu.memory_space<hbm>>
      %dma_start3A_465 = arith.constant 0 : i32
      %dma_start3A_466 = arith.constant 0 : i32
      %dma_start3A_467 = tpu.memref_slice %arg4[%add3A_455, %dma_start3A_465, %dma_start3A_466] : memref<4096x50x64xf32, #tpu.memory_space<hbm>> -> memref<1x50x64xf32, #tpu.memory_space<hbm>>
      %dma_start3A_468 = tpu.memref_squeeze %dma_start3A_467 : memref<1x50x64xf32, #tpu.memory_space<hbm>> -> memref<50x64xf32, #tpu.memory_space<hbm>>
      %dma_start3A_469 = arith.constant 300 : i32
      %dma_start3A_470 = arith.constant 0 : i32
      %dma_start3A_471 = tpu.memref_slice %arg6[%dma_start3A_456, %dma_start3A_469, %dma_start3A_470] : memref<2x400x128xf32, #tpu.memory_space<vmem>> -> memref<1x50x64xf32, #tpu.memory_space<vmem>>
      %dma_start3A_472 = tpu.memref_squeeze %dma_start3A_471 : memref<1x50x64xf32, #tpu.memory_space<vmem>> -> memref<50x64xf32, #tpu.memory_space<vmem>>
      tpu.enqueue_dma source(%dma_start3A_472 : memref<50x64xf32, #tpu.memory_space<vmem>>) target(%dma_start3A_468 : memref<50x64xf32, #tpu.memory_space<hbm>>) target_semaphore(%arg9 : memref<!tpu.dma_semaphore, #tpu.memory_space<semaphore_mem>>)
      %mul3A_473 = arith.constant 8 : i32
      %mul3A_474 = arith.muli %mul3A_291, %mul3A_473 : i32
      %add3A_475 = arith.addi %mul3A_2, %mul3A_474 : i32
      %add3A_476 = arith.constant 7 : i32
      %add3A_477 = arith.addi %add3A_475, %add3A_476 : i32
      %dma_start3A_478 = arith.constant 0 : i32
      %dma_start3A_479 = arith.constant 350 : i32
      %dma_start3A_480 = arith.constant 0 : i32
      %dma_start3A_481 = tpu.memref_slice %arg6[%dma_start3A_478, %dma_start3A_479, %dma_start3A_480] : memref<2x400x128xf32, #tpu.memory_space<vmem>> -> memref<1x50x64xf32, #tpu.memory_space<vmem>>
      %dma_start3A_482 = tpu.memref_squeeze %dma_start3A_481 : memref<1x50x64xf32, #tpu.memory_space<vmem>> -> memref<50x64xf32, #tpu.memory_space<vmem>>
      %dma_start3A_483 = arith.constant 0 : i32
      %dma_start3A_484 = arith.constant 0 : i32
      %dma_start3A_485 = tpu.memref_slice %arg4[%add3A_477, %dma_start3A_483, %dma_start3A_484] : memref<4096x50x64xf32, #tpu.memory_space<hbm>> -> memref<1x50x64xf32, #tpu.memory_space<hbm>>
      %dma_start3A_486 = tpu.memref_squeeze %dma_start3A_485 : memref<1x50x64xf32, #tpu.memory_space<hbm>> -> memref<50x64xf32, #tpu.memory_space<hbm>>
      %dma_start3A_487 = arith.constant 0 : i32
      %dma_start3A_488 = arith.constant 0 : i32
      %dma_start3A_489 = tpu.memref_slice %arg4[%add3A_477, %dma_start3A_487, %dma_start3A_488] : memref<4096x50x64xf32, #tpu.memory_space<hbm>> -> memref<1x50x64xf32, #tpu.memory_space<hbm>>
      %dma_start3A_490 = tpu.memref_squeeze %dma_start3A_489 : memref<1x50x64xf32, #tpu.memory_space<hbm>> -> memref<50x64xf32, #tpu.memory_space<hbm>>
      %dma_start3A_491 = arith.constant 350 : i32
      %dma_start3A_492 = arith.constant 0 : i32
      %dma_start3A_493 = tpu.memref_slice %arg6[%dma_start3A_478, %dma_start3A_491, %dma_start3A_492] : memref<2x400x128xf32, #tpu.memory_space<vmem>> -> memref<1x50x64xf32, #tpu.memory_space<vmem>>
      %dma_start3A_494 = tpu.memref_squeeze %dma_start3A_493 : memref<1x50x64xf32, #tpu.memory_space<vmem>> -> memref<50x64xf32, #tpu.memory_space<vmem>>
      tpu.enqueue_dma source(%dma_start3A_494 : memref<50x64xf32, #tpu.memory_space<vmem>>) target(%dma_start3A_490 : memref<50x64xf32, #tpu.memory_space<hbm>>) target_semaphore(%arg9 : memref<!tpu.dma_semaphore, #tpu.memory_space<semaphore_mem>>)
      %add3A_495 = arith.constant 1 : i32
      %add3A_496 = arith.addi %scan3A_289, %add3A_495 : i32
      %lt3A = arith.constant 8 : i32
      %lt3A_497 = arith.cmpi slt, %add3A_496, %lt3A : i32
      %convert_element_type3A_498 = arith.extui %lt3A_497 : i1 to i32
      %cond3A_499 = arith.constant 0 : i32
      %cond3A_500 = arith.cmpi ne, %convert_element_type3A_498, %cond3A_499 : i32
      scf.if %cond3A_500 {
        %dma_wait3A_689 = arith.constant 0 : i32
        %dma_wait3A_690 = arith.constant 0 : i32
        %dma_wait3A_691 = arith.constant 0 : i32
        %dma_wait3A_692 = tpu.memref_slice %arg6[%dma_wait3A_689, %dma_wait3A_690, %dma_wait3A_691] : memref<2x400x128xf32, #tpu.memory_space<vmem>> -> memref<1x50x64xf32, #tpu.memory_space<vmem>>
        %dma_wait3A_693 = tpu.memref_squeeze %dma_wait3A_692 : memref<1x50x64xf32, #tpu.memory_space<vmem>> -> memref<50x64xf32, #tpu.memory_space<vmem>>
        %dma_wait3A_694 = arith.constant 0 : i32
        %dma_wait3A_695 = arith.constant 0 : i32
        %dma_wait3A_696 = tpu.memref_slice %arg4[%mul3A_2, %dma_wait3A_694, %dma_wait3A_695] : memref<4096x50x64xf32, #tpu.memory_space<hbm>> -> memref<1x50x64xf32, #tpu.memory_space<hbm>>
        %dma_wait3A_697 = tpu.memref_squeeze %dma_wait3A_696 : memref<1x50x64xf32, #tpu.memory_space<hbm>> -> memref<50x64xf32, #tpu.memory_space<hbm>>
        %dma_wait3A_698 = arith.constant 0 : i32
        %dma_wait3A_699 = arith.constant 0 : i32
        %dma_wait3A_700 = tpu.memref_slice %arg4[%mul3A_2, %dma_wait3A_698, %dma_wait3A_699] : memref<4096x50x64xf32, #tpu.memory_space<hbm>> -> memref<1x50x64xf32, #tpu.memory_space<hbm>>
        %dma_wait3A_701 = tpu.memref_squeeze %dma_wait3A_700 : memref<1x50x64xf32, #tpu.memory_space<hbm>> -> memref<50x64xf32, #tpu.memory_space<hbm>>
        %dma_wait3A_702 = arith.constant 0 : i32
        %dma_wait3A_703 = arith.constant 0 : i32
        %dma_wait3A_704 = tpu.memref_slice %arg6[%dma_wait3A_689, %dma_wait3A_702, %dma_wait3A_703] : memref<2x400x128xf32, #tpu.memory_space<vmem>> -> memref<1x50x64xf32, #tpu.memory_space<vmem>>
        %dma_wait3A_705 = tpu.memref_squeeze %dma_wait3A_704 : memref<1x50x64xf32, #tpu.memory_space<vmem>> -> memref<50x64xf32, #tpu.memory_space<vmem>>
        tpu.wait_dma2 semaphore(%arg9 : memref<!tpu.dma_semaphore, #tpu.memory_space<semaphore_mem>>) src(%dma_wait3A_705 : memref<50x64xf32, #tpu.memory_space<vmem>>) dst(%dma_wait3A_701 : memref<50x64xf32, #tpu.memory_space<hbm>>)
        %dma_wait3A_706 = arith.constant 0 : i32
        %dma_wait3A_707 = arith.constant 50 : i32
        %dma_wait3A_708 = arith.constant 0 : i32
        %dma_wait3A_709 = tpu.memref_slice %arg6[%dma_wait3A_706, %dma_wait3A_707, %dma_wait3A_708] : memref<2x400x128xf32, #tpu.memory_space<vmem>> -> memref<1x50x64xf32, #tpu.memory_space<vmem>>
        %dma_wait3A_710 = tpu.memref_squeeze %dma_wait3A_709 : memref<1x50x64xf32, #tpu.memory_space<vmem>> -> memref<50x64xf32, #tpu.memory_space<vmem>>
        %dma_wait3A_711 = arith.constant 0 : i32
        %dma_wait3A_712 = arith.constant 0 : i32
        %dma_wait3A_713 = tpu.memref_slice %arg4[%mul3A_2, %dma_wait3A_711, %dma_wait3A_712] : memref<4096x50x64xf32, #tpu.memory_space<hbm>> -> memref<1x50x64xf32, #tpu.memory_space<hbm>>
        %dma_wait3A_714 = tpu.memref_squeeze %dma_wait3A_713 : memref<1x50x64xf32, #tpu.memory_space<hbm>> -> memref<50x64xf32, #tpu.memory_space<hbm>>
        %dma_wait3A_715 = arith.constant 0 : i32
        %dma_wait3A_716 = arith.constant 0 : i32
        %dma_wait3A_717 = tpu.memref_slice %arg4[%mul3A_2, %dma_wait3A_715, %dma_wait3A_716] : memref<4096x50x64xf32, #tpu.memory_space<hbm>> -> memref<1x50x64xf32, #tpu.memory_space<hbm>>
        %dma_wait3A_718 = tpu.memref_squeeze %dma_wait3A_717 : memref<1x50x64xf32, #tpu.memory_space<hbm>> -> memref<50x64xf32, #tpu.memory_space<hbm>>
        %dma_wait3A_719 = arith.constant 50 : i32
        %dma_wait3A_720 = arith.constant 0 : i32
        %dma_wait3A_721 = tpu.memref_slice %arg6[%dma_wait3A_706, %dma_wait3A_719, %dma_wait3A_720] : memref<2x400x128xf32, #tpu.memory_space<vmem>> -> memref<1x50x64xf32, #tpu.memory_space<vmem>>
        %dma_wait3A_722 = tpu.memref_squeeze %dma_wait3A_721 : memref<1x50x64xf32, #tpu.memory_space<vmem>> -> memref<50x64xf32, #tpu.memory_space<vmem>>
        tpu.wait_dma2 semaphore(%arg9 : memref<!tpu.dma_semaphore, #tpu.memory_space<semaphore_mem>>) src(%dma_wait3A_722 : memref<50x64xf32, #tpu.memory_space<vmem>>) dst(%dma_wait3A_718 : memref<50x64xf32, #tpu.memory_space<hbm>>)
        %dma_wait3A_723 = arith.constant 0 : i32
        %dma_wait3A_724 = arith.constant 100 : i32
        %dma_wait3A_725 = arith.constant 0 : i32
        %dma_wait3A_726 = tpu.memref_slice %arg6[%dma_wait3A_723, %dma_wait3A_724, %dma_wait3A_725] : memref<2x400x128xf32, #tpu.memory_space<vmem>> -> memref<1x50x64xf32, #tpu.memory_space<vmem>>
        %dma_wait3A_727 = tpu.memref_squeeze %dma_wait3A_726 : memref<1x50x64xf32, #tpu.memory_space<vmem>> -> memref<50x64xf32, #tpu.memory_space<vmem>>
        %dma_wait3A_728 = arith.constant 0 : i32
        %dma_wait3A_729 = arith.constant 0 : i32
        %dma_wait3A_730 = tpu.memref_slice %arg4[%mul3A_2, %dma_wait3A_728, %dma_wait3A_729] : memref<4096x50x64xf32, #tpu.memory_space<hbm>> -> memref<1x50x64xf32, #tpu.memory_space<hbm>>
        %dma_wait3A_731 = tpu.memref_squeeze %dma_wait3A_730 : memref<1x50x64xf32, #tpu.memory_space<hbm>> -> memref<50x64xf32, #tpu.memory_space<hbm>>
        %dma_wait3A_732 = arith.constant 0 : i32
        %dma_wait3A_733 = arith.constant 0 : i32
        %dma_wait3A_734 = tpu.memref_slice %arg4[%mul3A_2, %dma_wait3A_732, %dma_wait3A_733] : memref<4096x50x64xf32, #tpu.memory_space<hbm>> -> memref<1x50x64xf32, #tpu.memory_space<hbm>>
        %dma_wait3A_735 = tpu.memref_squeeze %dma_wait3A_734 : memref<1x50x64xf32, #tpu.memory_space<hbm>> -> memref<50x64xf32, #tpu.memory_space<hbm>>
        %dma_wait3A_736 = arith.constant 100 : i32
        %dma_wait3A_737 = arith.constant 0 : i32
        %dma_wait3A_738 = tpu.memref_slice %arg6[%dma_wait3A_723, %dma_wait3A_736, %dma_wait3A_737] : memref<2x400x128xf32, #tpu.memory_space<vmem>> -> memref<1x50x64xf32, #tpu.memory_space<vmem>>
        %dma_wait3A_739 = tpu.memref_squeeze %dma_wait3A_738 : memref<1x50x64xf32, #tpu.memory_space<vmem>> -> memref<50x64xf32, #tpu.memory_space<vmem>>
        tpu.wait_dma2 semaphore(%arg9 : memref<!tpu.dma_semaphore, #tpu.memory_space<semaphore_mem>>) src(%dma_wait3A_739 : memref<50x64xf32, #tpu.memory_space<vmem>>) dst(%dma_wait3A_735 : memref<50x64xf32, #tpu.memory_space<hbm>>)
        %dma_wait3A_740 = arith.constant 0 : i32
        %dma_wait3A_741 = arith.constant 150 : i32
        %dma_wait3A_742 = arith.constant 0 : i32
        %dma_wait3A_743 = tpu.memref_slice %arg6[%dma_wait3A_740, %dma_wait3A_741, %dma_wait3A_742] : memref<2x400x128xf32, #tpu.memory_space<vmem>> -> memref<1x50x64xf32, #tpu.memory_space<vmem>>
        %dma_wait3A_744 = tpu.memref_squeeze %dma_wait3A_743 : memref<1x50x64xf32, #tpu.memory_space<vmem>> -> memref<50x64xf32, #tpu.memory_space<vmem>>
        %dma_wait3A_745 = arith.constant 0 : i32
        %dma_wait3A_746 = arith.constant 0 : i32
        %dma_wait3A_747 = tpu.memref_slice %arg4[%mul3A_2, %dma_wait3A_745, %dma_wait3A_746] : memref<4096x50x64xf32, #tpu.memory_space<hbm>> -> memref<1x50x64xf32, #tpu.memory_space<hbm>>
        %dma_wait3A_748 = tpu.memref_squeeze %dma_wait3A_747 : memref<1x50x64xf32, #tpu.memory_space<hbm>> -> memref<50x64xf32, #tpu.memory_space<hbm>>
        %dma_wait3A_749 = arith.constant 0 : i32
        %dma_wait3A_750 = arith.constant 0 : i32
        %dma_wait3A_751 = tpu.memref_slice %arg4[%mul3A_2, %dma_wait3A_749, %dma_wait3A_750] : memref<4096x50x64xf32, #tpu.memory_space<hbm>> -> memref<1x50x64xf32, #tpu.memory_space<hbm>>
        %dma_wait3A_752 = tpu.memref_squeeze %dma_wait3A_751 : memref<1x50x64xf32, #tpu.memory_space<hbm>> -> memref<50x64xf32, #tpu.memory_space<hbm>>
        %dma_wait3A_753 = arith.constant 150 : i32
        %dma_wait3A_754 = arith.constant 0 : i32
        %dma_wait3A_755 = tpu.memref_slice %arg6[%dma_wait3A_740, %dma_wait3A_753, %dma_wait3A_754] : memref<2x400x128xf32, #tpu.memory_space<vmem>> -> memref<1x50x64xf32, #tpu.memory_space<vmem>>
        %dma_wait3A_756 = tpu.memref_squeeze %dma_wait3A_755 : memref<1x50x64xf32, #tpu.memory_space<vmem>> -> memref<50x64xf32, #tpu.memory_space<vmem>>
        tpu.wait_dma2 semaphore(%arg9 : memref<!tpu.dma_semaphore, #tpu.memory_space<semaphore_mem>>) src(%dma_wait3A_756 : memref<50x64xf32, #tpu.memory_space<vmem>>) dst(%dma_wait3A_752 : memref<50x64xf32, #tpu.memory_space<hbm>>)
        %dma_wait3A_757 = arith.constant 0 : i32
        %dma_wait3A_758 = arith.constant 200 : i32
        %dma_wait3A_759 = arith.constant 0 : i32
        %dma_wait3A_760 = tpu.memref_slice %arg6[%dma_wait3A_757, %dma_wait3A_758, %dma_wait3A_759] : memref<2x400x128xf32, #tpu.memory_space<vmem>> -> memref<1x50x64xf32, #tpu.memory_space<vmem>>
        %dma_wait3A_761 = tpu.memref_squeeze %dma_wait3A_760 : memref<1x50x64xf32, #tpu.memory_space<vmem>> -> memref<50x64xf32, #tpu.memory_space<vmem>>
        %dma_wait3A_762 = arith.constant 0 : i32
        %dma_wait3A_763 = arith.constant 0 : i32
        %dma_wait3A_764 = tpu.memref_slice %arg4[%mul3A_2, %dma_wait3A_762, %dma_wait3A_763] : memref<4096x50x64xf32, #tpu.memory_space<hbm>> -> memref<1x50x64xf32, #tpu.memory_space<hbm>>
        %dma_wait3A_765 = tpu.memref_squeeze %dma_wait3A_764 : memref<1x50x64xf32, #tpu.memory_space<hbm>> -> memref<50x64xf32, #tpu.memory_space<hbm>>
        %dma_wait3A_766 = arith.constant 0 : i32
        %dma_wait3A_767 = arith.constant 0 : i32
        %dma_wait3A_768 = tpu.memref_slice %arg4[%mul3A_2, %dma_wait3A_766, %dma_wait3A_767] : memref<4096x50x64xf32, #tpu.memory_space<hbm>> -> memref<1x50x64xf32, #tpu.memory_space<hbm>>
        %dma_wait3A_769 = tpu.memref_squeeze %dma_wait3A_768 : memref<1x50x64xf32, #tpu.memory_space<hbm>> -> memref<50x64xf32, #tpu.memory_space<hbm>>
        %dma_wait3A_770 = arith.constant 200 : i32
        %dma_wait3A_771 = arith.constant 0 : i32
        %dma_wait3A_772 = tpu.memref_slice %arg6[%dma_wait3A_757, %dma_wait3A_770, %dma_wait3A_771] : memref<2x400x128xf32, #tpu.memory_space<vmem>> -> memref<1x50x64xf32, #tpu.memory_space<vmem>>
        %dma_wait3A_773 = tpu.memref_squeeze %dma_wait3A_772 : memref<1x50x64xf32, #tpu.memory_space<vmem>> -> memref<50x64xf32, #tpu.memory_space<vmem>>
        tpu.wait_dma2 semaphore(%arg9 : memref<!tpu.dma_semaphore, #tpu.memory_space<semaphore_mem>>) src(%dma_wait3A_773 : memref<50x64xf32, #tpu.memory_space<vmem>>) dst(%dma_wait3A_769 : memref<50x64xf32, #tpu.memory_space<hbm>>)
        %dma_wait3A_774 = arith.constant 0 : i32
        %dma_wait3A_775 = arith.constant 250 : i32
        %dma_wait3A_776 = arith.constant 0 : i32
        %dma_wait3A_777 = tpu.memref_slice %arg6[%dma_wait3A_774, %dma_wait3A_775, %dma_wait3A_776] : memref<2x400x128xf32, #tpu.memory_space<vmem>> -> memref<1x50x64xf32, #tpu.memory_space<vmem>>
        %dma_wait3A_778 = tpu.memref_squeeze %dma_wait3A_777 : memref<1x50x64xf32, #tpu.memory_space<vmem>> -> memref<50x64xf32, #tpu.memory_space<vmem>>
        %dma_wait3A_779 = arith.constant 0 : i32
        %dma_wait3A_780 = arith.constant 0 : i32
        %dma_wait3A_781 = tpu.memref_slice %arg4[%mul3A_2, %dma_wait3A_779, %dma_wait3A_780] : memref<4096x50x64xf32, #tpu.memory_space<hbm>> -> memref<1x50x64xf32, #tpu.memory_space<hbm>>
        %dma_wait3A_782 = tpu.memref_squeeze %dma_wait3A_781 : memref<1x50x64xf32, #tpu.memory_space<hbm>> -> memref<50x64xf32, #tpu.memory_space<hbm>>
        %dma_wait3A_783 = arith.constant 0 : i32
        %dma_wait3A_784 = arith.constant 0 : i32
        %dma_wait3A_785 = tpu.memref_slice %arg4[%mul3A_2, %dma_wait3A_783, %dma_wait3A_784] : memref<4096x50x64xf32, #tpu.memory_space<hbm>> -> memref<1x50x64xf32, #tpu.memory_space<hbm>>
        %dma_wait3A_786 = tpu.memref_squeeze %dma_wait3A_785 : memref<1x50x64xf32, #tpu.memory_space<hbm>> -> memref<50x64xf32, #tpu.memory_space<hbm>>
        %dma_wait3A_787 = arith.constant 250 : i32
        %dma_wait3A_788 = arith.constant 0 : i32
        %dma_wait3A_789 = tpu.memref_slice %arg6[%dma_wait3A_774, %dma_wait3A_787, %dma_wait3A_788] : memref<2x400x128xf32, #tpu.memory_space<vmem>> -> memref<1x50x64xf32, #tpu.memory_space<vmem>>
        %dma_wait3A_790 = tpu.memref_squeeze %dma_wait3A_789 : memref<1x50x64xf32, #tpu.memory_space<vmem>> -> memref<50x64xf32, #tpu.memory_space<vmem>>
        tpu.wait_dma2 semaphore(%arg9 : memref<!tpu.dma_semaphore, #tpu.memory_space<semaphore_mem>>) src(%dma_wait3A_790 : memref<50x64xf32, #tpu.memory_space<vmem>>) dst(%dma_wait3A_786 : memref<50x64xf32, #tpu.memory_space<hbm>>)
        %dma_wait3A_791 = arith.constant 0 : i32
        %dma_wait3A_792 = arith.constant 300 : i32
        %dma_wait3A_793 = arith.constant 0 : i32
        %dma_wait3A_794 = tpu.memref_slice %arg6[%dma_wait3A_791, %dma_wait3A_792, %dma_wait3A_793] : memref<2x400x128xf32, #tpu.memory_space<vmem>> -> memref<1x50x64xf32, #tpu.memory_space<vmem>>
        %dma_wait3A_795 = tpu.memref_squeeze %dma_wait3A_794 : memref<1x50x64xf32, #tpu.memory_space<vmem>> -> memref<50x64xf32, #tpu.memory_space<vmem>>
        %dma_wait3A_796 = arith.constant 0 : i32
        %dma_wait3A_797 = arith.constant 0 : i32
        %dma_wait3A_798 = tpu.memref_slice %arg4[%mul3A_2, %dma_wait3A_796, %dma_wait3A_797] : memref<4096x50x64xf32, #tpu.memory_space<hbm>> -> memref<1x50x64xf32, #tpu.memory_space<hbm>>
        %dma_wait3A_799 = tpu.memref_squeeze %dma_wait3A_798 : memref<1x50x64xf32, #tpu.memory_space<hbm>> -> memref<50x64xf32, #tpu.memory_space<hbm>>
        %dma_wait3A_800 = arith.constant 0 : i32
        %dma_wait3A_801 = arith.constant 0 : i32
        %dma_wait3A_802 = tpu.memref_slice %arg4[%mul3A_2, %dma_wait3A_800, %dma_wait3A_801] : memref<4096x50x64xf32, #tpu.memory_space<hbm>> -> memref<1x50x64xf32, #tpu.memory_space<hbm>>
        %dma_wait3A_803 = tpu.memref_squeeze %dma_wait3A_802 : memref<1x50x64xf32, #tpu.memory_space<hbm>> -> memref<50x64xf32, #tpu.memory_space<hbm>>
        %dma_wait3A_804 = arith.constant 300 : i32
        %dma_wait3A_805 = arith.constant 0 : i32
        %dma_wait3A_806 = tpu.memref_slice %arg6[%dma_wait3A_791, %dma_wait3A_804, %dma_wait3A_805] : memref<2x400x128xf32, #tpu.memory_space<vmem>> -> memref<1x50x64xf32, #tpu.memory_space<vmem>>
        %dma_wait3A_807 = tpu.memref_squeeze %dma_wait3A_806 : memref<1x50x64xf32, #tpu.memory_space<vmem>> -> memref<50x64xf32, #tpu.memory_space<vmem>>
        tpu.wait_dma2 semaphore(%arg9 : memref<!tpu.dma_semaphore, #tpu.memory_space<semaphore_mem>>) src(%dma_wait3A_807 : memref<50x64xf32, #tpu.memory_space<vmem>>) dst(%dma_wait3A_803 : memref<50x64xf32, #tpu.memory_space<hbm>>)
        %dma_wait3A_808 = arith.constant 0 : i32
        %dma_wait3A_809 = arith.constant 350 : i32
        %dma_wait3A_810 = arith.constant 0 : i32
        %dma_wait3A_811 = tpu.memref_slice %arg6[%dma_wait3A_808, %dma_wait3A_809, %dma_wait3A_810] : memref<2x400x128xf32, #tpu.memory_space<vmem>> -> memref<1x50x64xf32, #tpu.memory_space<vmem>>
        %dma_wait3A_812 = tpu.memref_squeeze %dma_wait3A_811 : memref<1x50x64xf32, #tpu.memory_space<vmem>> -> memref<50x64xf32, #tpu.memory_space<vmem>>
        %dma_wait3A_813 = arith.constant 0 : i32
        %dma_wait3A_814 = arith.constant 0 : i32
        %dma_wait3A_815 = tpu.memref_slice %arg4[%mul3A_2, %dma_wait3A_813, %dma_wait3A_814] : memref<4096x50x64xf32, #tpu.memory_space<hbm>> -> memref<1x50x64xf32, #tpu.memory_space<hbm>>
        %dma_wait3A_816 = tpu.memref_squeeze %dma_wait3A_815 : memref<1x50x64xf32, #tpu.memory_space<hbm>> -> memref<50x64xf32, #tpu.memory_space<hbm>>
        %dma_wait3A_817 = arith.constant 0 : i32
        %dma_wait3A_818 = arith.constant 0 : i32
        %dma_wait3A_819 = tpu.memref_slice %arg4[%mul3A_2, %dma_wait3A_817, %dma_wait3A_818] : memref<4096x50x64xf32, #tpu.memory_space<hbm>> -> memref<1x50x64xf32, #tpu.memory_space<hbm>>
        %dma_wait3A_820 = tpu.memref_squeeze %dma_wait3A_819 : memref<1x50x64xf32, #tpu.memory_space<hbm>> -> memref<50x64xf32, #tpu.memory_space<hbm>>
        %dma_wait3A_821 = arith.constant 350 : i32
        %dma_wait3A_822 = arith.constant 0 : i32
        %dma_wait3A_823 = tpu.memref_slice %arg6[%dma_wait3A_808, %dma_wait3A_821, %dma_wait3A_822] : memref<2x400x128xf32, #tpu.memory_space<vmem>> -> memref<1x50x64xf32, #tpu.memory_space<vmem>>
        %dma_wait3A_824 = tpu.memref_squeeze %dma_wait3A_823 : memref<1x50x64xf32, #tpu.memory_space<vmem>> -> memref<50x64xf32, #tpu.memory_space<vmem>>
        tpu.wait_dma2 semaphore(%arg9 : memref<!tpu.dma_semaphore, #tpu.memory_space<semaphore_mem>>) src(%dma_wait3A_824 : memref<50x64xf32, #tpu.memory_space<vmem>>) dst(%dma_wait3A_820 : memref<50x64xf32, #tpu.memory_space<hbm>>)
        %add3A_825 = arith.constant 2 : i32
        %add3A_826 = arith.addi %mul3A_291, %add3A_825 : i32
        %dma_start3A_827 = arith.constant 0 : i32
        %dma_start3A_828 = arith.constant 0 : i32
        %dma_start3A_829 = arith.constant 0 : i32
        %dma_start3A_830 = tpu.memref_slice %arg6[%dma_start3A_827, %dma_start3A_828, %dma_start3A_829] : memref<2x400x128xf32, #tpu.memory_space<vmem>> -> memref<1x400x128xf32, #tpu.memory_space<vmem>>
        %dma_start3A_831 = tpu.memref_squeeze %dma_start3A_830 : memref<1x400x128xf32, #tpu.memory_space<vmem>> -> memref<400x128xf32, #tpu.memory_space<vmem>>
        %dma_start3A_832 = arith.constant 0 : i32
        %dma_start3A_833 = tpu.memref_slice %arg5[%add3A_826, %dma_start3A_832] : memref<16x400xi32, #tpu.memory_space<vmem>> -> memref<1x400xi32, #tpu.memory_space<vmem>>
        %dma_start3A_834 = tpu.memref_squeeze %dma_start3A_833 : memref<1x400xi32, #tpu.memory_space<vmem>> -> memref<400xi32, #tpu.memory_space<vmem>>
        %dma_start3A_835 = arith.constant 0 : i32
        %dma_start3A_836 = arith.constant 0 : i32
        %dma_start3A_837 = tpu.memref_slice %arg3[%dma_start3A_835, %dma_start3A_836] : memref<1000000x128xf32, #tpu.memory_space<hbm>> -> memref<1000000x128xf32, #tpu.memory_space<hbm>>
        tpu.enqueue_indirect_dma source(%dma_start3A_837 : memref<1000000x128xf32, #tpu.memory_space<hbm>>) target(%dma_start3A_831 : memref<400x128xf32, #tpu.memory_space<vmem>>) offsets(%dma_start3A_834 : memref<400xi32, #tpu.memory_space<vmem>>) semaphore(%arg7 : memref<!tpu.dma_semaphore, #tpu.memory_space<semaphore_mem>>)
      } else {
      }
      %dma_wait3A_501 = arith.constant 0 : i32
      %dma_wait3A_502 = arith.constant 1 : i32
      %dma_wait3A_503 = arith.constant 0 : i32
      %dma_wait3A_504 = arith.constant 0 : i32
      %dma_wait3A_505 = tpu.memref_slice %arg6[%dma_wait3A_502, %dma_wait3A_503, %dma_wait3A_504] : memref<2x400x128xf32, #tpu.memory_space<vmem>> -> memref<1x400x128xf32, #tpu.memory_space<vmem>>
      %dma_wait3A_506 = tpu.memref_squeeze %dma_wait3A_505 : memref<1x400x128xf32, #tpu.memory_space<vmem>> -> memref<400x128xf32, #tpu.memory_space<vmem>>
      %dma_wait3A_507 = arith.constant 0 : i32
      %dma_wait3A_508 = tpu.memref_slice %arg5[%dma_wait3A_501, %dma_wait3A_507] : memref<16x400xi32, #tpu.memory_space<vmem>> -> memref<1x400xi32, #tpu.memory_space<vmem>>
      %dma_wait3A_509 = tpu.memref_squeeze %dma_wait3A_508 : memref<1x400xi32, #tpu.memory_space<vmem>> -> memref<400xi32, #tpu.memory_space<vmem>>
      %dma_wait3A_510 = arith.constant 0 : i32
      %dma_wait3A_511 = arith.constant 0 : i32
      %dma_wait3A_512 = tpu.memref_slice %arg3[%dma_wait3A_510, %dma_wait3A_511] : memref<1000000x128xf32, #tpu.memory_space<hbm>> -> memref<1000000x128xf32, #tpu.memory_space<hbm>>
      tpu.wait_indirect_dma semaphore(%arg8 : memref<!tpu.dma_semaphore, #tpu.memory_space<semaphore_mem>>) src(%dma_wait3A_512 : memref<1000000x128xf32, #tpu.memory_space<hbm>>) dst(%dma_wait3A_506 : memref<400x128xf32, #tpu.memory_space<vmem>>)
      %mul3A_513 = arith.constant 8 : i32
      %mul3A_514 = arith.muli %add3A_293, %mul3A_513 : i32
      %add3A_515 = arith.addi %mul3A_2, %mul3A_514 : i32
      %add3A_516 = arith.constant 0 : i32
      %add3A_517 = arith.addi %add3A_515, %add3A_516 : i32
      %dma_start3A_518 = arith.constant 1 : i32
      %dma_start3A_519 = arith.constant 0 : i32
      %dma_start3A_520 = arith.constant 0 : i32
      %dma_start3A_521 = tpu.memref_slice %arg6[%dma_start3A_518, %dma_start3A_519, %dma_start3A_520] : memref<2x400x128xf32, #tpu.memory_space<vmem>> -> memref<1x50x64xf32, #tpu.memory_space<vmem>>
      %dma_start3A_522 = tpu.memref_squeeze %dma_start3A_521 : memref<1x50x64xf32, #tpu.memory_space<vmem>> -> memref<50x64xf32, #tpu.memory_space<vmem>>
      %dma_start3A_523 = arith.constant 0 : i32
      %dma_start3A_524 = arith.constant 0 : i32
      %dma_start3A_525 = tpu.memref_slice %arg4[%add3A_517, %dma_start3A_523, %dma_start3A_524] : memref<4096x50x64xf32, #tpu.memory_space<hbm>> -> memref<1x50x64xf32, #tpu.memory_space<hbm>>
      %dma_start3A_526 = tpu.memref_squeeze %dma_start3A_525 : memref<1x50x64xf32, #tpu.memory_space<hbm>> -> memref<50x64xf32, #tpu.memory_space<hbm>>
      %dma_start3A_527 = arith.constant 0 : i32
      %dma_start3A_528 = arith.constant 0 : i32
      %dma_start3A_529 = tpu.memref_slice %arg4[%add3A_517, %dma_start3A_527, %dma_start3A_528] : memref<4096x50x64xf32, #tpu.memory_space<hbm>> -> memref<1x50x64xf32, #tpu.memory_space<hbm>>
      %dma_start3A_530 = tpu.memref_squeeze %dma_start3A_529 : memref<1x50x64xf32, #tpu.memory_space<hbm>> -> memref<50x64xf32, #tpu.memory_space<hbm>>
      %dma_start3A_531 = arith.constant 0 : i32
      %dma_start3A_532 = arith.constant 0 : i32
      %dma_start3A_533 = tpu.memref_slice %arg6[%dma_start3A_518, %dma_start3A_531, %dma_start3A_532] : memref<2x400x128xf32, #tpu.memory_space<vmem>> -> memref<1x50x64xf32, #tpu.memory_space<vmem>>
      %dma_start3A_534 = tpu.memref_squeeze %dma_start3A_533 : memref<1x50x64xf32, #tpu.memory_space<vmem>> -> memref<50x64xf32, #tpu.memory_space<vmem>>
      tpu.enqueue_dma source(%dma_start3A_534 : memref<50x64xf32, #tpu.memory_space<vmem>>) target(%dma_start3A_530 : memref<50x64xf32, #tpu.memory_space<hbm>>) target_semaphore(%arg10 : memref<!tpu.dma_semaphore, #tpu.memory_space<semaphore_mem>>)
      %mul3A_535 = arith.constant 8 : i32
      %mul3A_536 = arith.muli %add3A_293, %mul3A_535 : i32
      %add3A_537 = arith.addi %mul3A_2, %mul3A_536 : i32
      %add3A_538 = arith.constant 1 : i32
      %add3A_539 = arith.addi %add3A_537, %add3A_538 : i32
      %dma_start3A_540 = arith.constant 1 : i32
      %dma_start3A_541 = arith.constant 50 : i32
      %dma_start3A_542 = arith.constant 0 : i32
      %dma_start3A_543 = tpu.memref_slice %arg6[%dma_start3A_540, %dma_start3A_541, %dma_start3A_542] : memref<2x400x128xf32, #tpu.memory_space<vmem>> -> memref<1x50x64xf32, #tpu.memory_space<vmem>>
      %dma_start3A_544 = tpu.memref_squeeze %dma_start3A_543 : memref<1x50x64xf32, #tpu.memory_space<vmem>> -> memref<50x64xf32, #tpu.memory_space<vmem>>
      %dma_start3A_545 = arith.constant 0 : i32
      %dma_start3A_546 = arith.constant 0 : i32
      %dma_start3A_547 = tpu.memref_slice %arg4[%add3A_539, %dma_start3A_545, %dma_start3A_546] : memref<4096x50x64xf32, #tpu.memory_space<hbm>> -> memref<1x50x64xf32, #tpu.memory_space<hbm>>
      %dma_start3A_548 = tpu.memref_squeeze %dma_start3A_547 : memref<1x50x64xf32, #tpu.memory_space<hbm>> -> memref<50x64xf32, #tpu.memory_space<hbm>>
      %dma_start3A_549 = arith.constant 0 : i32
      %dma_start3A_550 = arith.constant 0 : i32
      %dma_start3A_551 = tpu.memref_slice %arg4[%add3A_539, %dma_start3A_549, %dma_start3A_550] : memref<4096x50x64xf32, #tpu.memory_space<hbm>> -> memref<1x50x64xf32, #tpu.memory_space<hbm>>
      %dma_start3A_552 = tpu.memref_squeeze %dma_start3A_551 : memref<1x50x64xf32, #tpu.memory_space<hbm>> -> memref<50x64xf32, #tpu.memory_space<hbm>>
      %dma_start3A_553 = arith.constant 50 : i32
      %dma_start3A_554 = arith.constant 0 : i32
      %dma_start3A_555 = tpu.memref_slice %arg6[%dma_start3A_540, %dma_start3A_553, %dma_start3A_554] : memref<2x400x128xf32, #tpu.memory_space<vmem>> -> memref<1x50x64xf32, #tpu.memory_space<vmem>>
      %dma_start3A_556 = tpu.memref_squeeze %dma_start3A_555 : memref<1x50x64xf32, #tpu.memory_space<vmem>> -> memref<50x64xf32, #tpu.memory_space<vmem>>
      tpu.enqueue_dma source(%dma_start3A_556 : memref<50x64xf32, #tpu.memory_space<vmem>>) target(%dma_start3A_552 : memref<50x64xf32, #tpu.memory_space<hbm>>) target_semaphore(%arg10 : memref<!tpu.dma_semaphore, #tpu.memory_space<semaphore_mem>>)
      %mul3A_557 = arith.constant 8 : i32
      %mul3A_558 = arith.muli %add3A_293, %mul3A_557 : i32
      %add3A_559 = arith.addi %mul3A_2, %mul3A_558 : i32
      %add3A_560 = arith.constant 2 : i32
      %add3A_561 = arith.addi %add3A_559, %add3A_560 : i32
      %dma_start3A_562 = arith.constant 1 : i32
      %dma_start3A_563 = arith.constant 100 : i32
      %dma_start3A_564 = arith.constant 0 : i32
      %dma_start3A_565 = tpu.memref_slice %arg6[%dma_start3A_562, %dma_start3A_563, %dma_start3A_564] : memref<2x400x128xf32, #tpu.memory_space<vmem>> -> memref<1x50x64xf32, #tpu.memory_space<vmem>>
      %dma_start3A_566 = tpu.memref_squeeze %dma_start3A_565 : memref<1x50x64xf32, #tpu.memory_space<vmem>> -> memref<50x64xf32, #tpu.memory_space<vmem>>
      %dma_start3A_567 = arith.constant 0 : i32
      %dma_start3A_568 = arith.constant 0 : i32
      %dma_start3A_569 = tpu.memref_slice %arg4[%add3A_561, %dma_start3A_567, %dma_start3A_568] : memref<4096x50x64xf32, #tpu.memory_space<hbm>> -> memref<1x50x64xf32, #tpu.memory_space<hbm>>
      %dma_start3A_570 = tpu.memref_squeeze %dma_start3A_569 : memref<1x50x64xf32, #tpu.memory_space<hbm>> -> memref<50x64xf32, #tpu.memory_space<hbm>>
      %dma_start3A_571 = arith.constant 0 : i32
      %dma_start3A_572 = arith.constant 0 : i32
      %dma_start3A_573 = tpu.memref_slice %arg4[%add3A_561, %dma_start3A_571, %dma_start3A_572] : memref<4096x50x64xf32, #tpu.memory_space<hbm>> -> memref<1x50x64xf32, #tpu.memory_space<hbm>>
      %dma_start3A_574 = tpu.memref_squeeze %dma_start3A_573 : memref<1x50x64xf32, #tpu.memory_space<hbm>> -> memref<50x64xf32, #tpu.memory_space<hbm>>
      %dma_start3A_575 = arith.constant 100 : i32
      %dma_start3A_576 = arith.constant 0 : i32
      %dma_start3A_577 = tpu.memref_slice %arg6[%dma_start3A_562, %dma_start3A_575, %dma_start3A_576] : memref<2x400x128xf32, #tpu.memory_space<vmem>> -> memref<1x50x64xf32, #tpu.memory_space<vmem>>
      %dma_start3A_578 = tpu.memref_squeeze %dma_start3A_577 : memref<1x50x64xf32, #tpu.memory_space<vmem>> -> memref<50x64xf32, #tpu.memory_space<vmem>>
      tpu.enqueue_dma source(%dma_start3A_578 : memref<50x64xf32, #tpu.memory_space<vmem>>) target(%dma_start3A_574 : memref<50x64xf32, #tpu.memory_space<hbm>>) target_semaphore(%arg10 : memref<!tpu.dma_semaphore, #tpu.memory_space<semaphore_mem>>)
      %mul3A_579 = arith.constant 8 : i32
      %mul3A_580 = arith.muli %add3A_293, %mul3A_579 : i32
      %add3A_581 = arith.addi %mul3A_2, %mul3A_580 : i32
      %add3A_582 = arith.constant 3 : i32
      %add3A_583 = arith.addi %add3A_581, %add3A_582 : i32
      %dma_start3A_584 = arith.constant 1 : i32
      %dma_start3A_585 = arith.constant 150 : i32
      %dma_start3A_586 = arith.constant 0 : i32
      %dma_start3A_587 = tpu.memref_slice %arg6[%dma_start3A_584, %dma_start3A_585, %dma_start3A_586] : memref<2x400x128xf32, #tpu.memory_space<vmem>> -> memref<1x50x64xf32, #tpu.memory_space<vmem>>
      %dma_start3A_588 = tpu.memref_squeeze %dma_start3A_587 : memref<1x50x64xf32, #tpu.memory_space<vmem>> -> memref<50x64xf32, #tpu.memory_space<vmem>>
      %dma_start3A_589 = arith.constant 0 : i32
      %dma_start3A_590 = arith.constant 0 : i32
      %dma_start3A_591 = tpu.memref_slice %arg4[%add3A_583, %dma_start3A_589, %dma_start3A_590] : memref<4096x50x64xf32, #tpu.memory_space<hbm>> -> memref<1x50x64xf32, #tpu.memory_space<hbm>>
      %dma_start3A_592 = tpu.memref_squeeze %dma_start3A_591 : memref<1x50x64xf32, #tpu.memory_space<hbm>> -> memref<50x64xf32, #tpu.memory_space<hbm>>
      %dma_start3A_593 = arith.constant 0 : i32
      %dma_start3A_594 = arith.constant 0 : i32
      %dma_start3A_595 = tpu.memref_slice %arg4[%add3A_583, %dma_start3A_593, %dma_start3A_594] : memref<4096x50x64xf32, #tpu.memory_space<hbm>> -> memref<1x50x64xf32, #tpu.memory_space<hbm>>
      %dma_start3A_596 = tpu.memref_squeeze %dma_start3A_595 : memref<1x50x64xf32, #tpu.memory_space<hbm>> -> memref<50x64xf32, #tpu.memory_space<hbm>>
      %dma_start3A_597 = arith.constant 150 : i32
      %dma_start3A_598 = arith.constant 0 : i32
      %dma_start3A_599 = tpu.memref_slice %arg6[%dma_start3A_584, %dma_start3A_597, %dma_start3A_598] : memref<2x400x128xf32, #tpu.memory_space<vmem>> -> memref<1x50x64xf32, #tpu.memory_space<vmem>>
      %dma_start3A_600 = tpu.memref_squeeze %dma_start3A_599 : memref<1x50x64xf32, #tpu.memory_space<vmem>> -> memref<50x64xf32, #tpu.memory_space<vmem>>
      tpu.enqueue_dma source(%dma_start3A_600 : memref<50x64xf32, #tpu.memory_space<vmem>>) target(%dma_start3A_596 : memref<50x64xf32, #tpu.memory_space<hbm>>) target_semaphore(%arg10 : memref<!tpu.dma_semaphore, #tpu.memory_space<semaphore_mem>>)
      %mul3A_601 = arith.constant 8 : i32
      %mul3A_602 = arith.muli %add3A_293, %mul3A_601 : i32
      %add3A_603 = arith.addi %mul3A_2, %mul3A_602 : i32
      %add3A_604 = arith.constant 4 : i32
      %add3A_605 = arith.addi %add3A_603, %add3A_604 : i32
      %dma_start3A_606 = arith.constant 1 : i32
      %dma_start3A_607 = arith.constant 200 : i32
      %dma_start3A_608 = arith.constant 0 : i32
      %dma_start3A_609 = tpu.memref_slice %arg6[%dma_start3A_606, %dma_start3A_607, %dma_start3A_608] : memref<2x400x128xf32, #tpu.memory_space<vmem>> -> memref<1x50x64xf32, #tpu.memory_space<vmem>>
      %dma_start3A_610 = tpu.memref_squeeze %dma_start3A_609 : memref<1x50x64xf32, #tpu.memory_space<vmem>> -> memref<50x64xf32, #tpu.memory_space<vmem>>
      %dma_start3A_611 = arith.constant 0 : i32
      %dma_start3A_612 = arith.constant 0 : i32
      %dma_start3A_613 = tpu.memref_slice %arg4[%add3A_605, %dma_start3A_611, %dma_start3A_612] : memref<4096x50x64xf32, #tpu.memory_space<hbm>> -> memref<1x50x64xf32, #tpu.memory_space<hbm>>
      %dma_start3A_614 = tpu.memref_squeeze %dma_start3A_613 : memref<1x50x64xf32, #tpu.memory_space<hbm>> -> memref<50x64xf32, #tpu.memory_space<hbm>>
      %dma_start3A_615 = arith.constant 0 : i32
      %dma_start3A_616 = arith.constant 0 : i32
      %dma_start3A_617 = tpu.memref_slice %arg4[%add3A_605, %dma_start3A_615, %dma_start3A_616] : memref<4096x50x64xf32, #tpu.memory_space<hbm>> -> memref<1x50x64xf32, #tpu.memory_space<hbm>>
      %dma_start3A_618 = tpu.memref_squeeze %dma_start3A_617 : memref<1x50x64xf32, #tpu.memory_space<hbm>> -> memref<50x64xf32, #tpu.memory_space<hbm>>
      %dma_start3A_619 = arith.constant 200 : i32
      %dma_start3A_620 = arith.constant 0 : i32
      %dma_start3A_621 = tpu.memref_slice %arg6[%dma_start3A_606, %dma_start3A_619, %dma_start3A_620] : memref<2x400x128xf32, #tpu.memory_space<vmem>> -> memref<1x50x64xf32, #tpu.memory_space<vmem>>
      %dma_start3A_622 = tpu.memref_squeeze %dma_start3A_621 : memref<1x50x64xf32, #tpu.memory_space<vmem>> -> memref<50x64xf32, #tpu.memory_space<vmem>>
      tpu.enqueue_dma source(%dma_start3A_622 : memref<50x64xf32, #tpu.memory_space<vmem>>) target(%dma_start3A_618 : memref<50x64xf32, #tpu.memory_space<hbm>>) target_semaphore(%arg10 : memref<!tpu.dma_semaphore, #tpu.memory_space<semaphore_mem>>)
      %mul3A_623 = arith.constant 8 : i32
      %mul3A_624 = arith.muli %add3A_293, %mul3A_623 : i32
      %add3A_625 = arith.addi %mul3A_2, %mul3A_624 : i32
      %add3A_626 = arith.constant 5 : i32
      %add3A_627 = arith.addi %add3A_625, %add3A_626 : i32
      %dma_start3A_628 = arith.constant 1 : i32
      %dma_start3A_629 = arith.constant 250 : i32
      %dma_start3A_630 = arith.constant 0 : i32
      %dma_start3A_631 = tpu.memref_slice %arg6[%dma_start3A_628, %dma_start3A_629, %dma_start3A_630] : memref<2x400x128xf32, #tpu.memory_space<vmem>> -> memref<1x50x64xf32, #tpu.memory_space<vmem>>
      %dma_start3A_632 = tpu.memref_squeeze %dma_start3A_631 : memref<1x50x64xf32, #tpu.memory_space<vmem>> -> memref<50x64xf32, #tpu.memory_space<vmem>>
      %dma_start3A_633 = arith.constant 0 : i32
      %dma_start3A_634 = arith.constant 0 : i32
      %dma_start3A_635 = tpu.memref_slice %arg4[%add3A_627, %dma_start3A_633, %dma_start3A_634] : memref<4096x50x64xf32, #tpu.memory_space<hbm>> -> memref<1x50x64xf32, #tpu.memory_space<hbm>>
      %dma_start3A_636 = tpu.memref_squeeze %dma_start3A_635 : memref<1x50x64xf32, #tpu.memory_space<hbm>> -> memref<50x64xf32, #tpu.memory_space<hbm>>
      %dma_start3A_637 = arith.constant 0 : i32
      %dma_start3A_638 = arith.constant 0 : i32
      %dma_start3A_639 = tpu.memref_slice %arg4[%add3A_627, %dma_start3A_637, %dma_start3A_638] : memref<4096x50x64xf32, #tpu.memory_space<hbm>> -> memref<1x50x64xf32, #tpu.memory_space<hbm>>
      %dma_start3A_640 = tpu.memref_squeeze %dma_start3A_639 : memref<1x50x64xf32, #tpu.memory_space<hbm>> -> memref<50x64xf32, #tpu.memory_space<hbm>>
      %dma_start3A_641 = arith.constant 250 : i32
      %dma_start3A_642 = arith.constant 0 : i32
      %dma_start3A_643 = tpu.memref_slice %arg6[%dma_start3A_628, %dma_start3A_641, %dma_start3A_642] : memref<2x400x128xf32, #tpu.memory_space<vmem>> -> memref<1x50x64xf32, #tpu.memory_space<vmem>>
      %dma_start3A_644 = tpu.memref_squeeze %dma_start3A_643 : memref<1x50x64xf32, #tpu.memory_space<vmem>> -> memref<50x64xf32, #tpu.memory_space<vmem>>
      tpu.enqueue_dma source(%dma_start3A_644 : memref<50x64xf32, #tpu.memory_space<vmem>>) target(%dma_start3A_640 : memref<50x64xf32, #tpu.memory_space<hbm>>) target_semaphore(%arg10 : memref<!tpu.dma_semaphore, #tpu.memory_space<semaphore_mem>>)
      %mul3A_645 = arith.constant 8 : i32
      %mul3A_646 = arith.muli %add3A_293, %mul3A_645 : i32
      %add3A_647 = arith.addi %mul3A_2, %mul3A_646 : i32
      %add3A_648 = arith.constant 6 : i32
      %add3A_649 = arith.addi %add3A_647, %add3A_648 : i32
      %dma_start3A_650 = arith.constant 1 : i32
      %dma_start3A_651 = arith.constant 300 : i32
      %dma_start3A_652 = arith.constant 0 : i32
      %dma_start3A_653 = tpu.memref_slice %arg6[%dma_start3A_650, %dma_start3A_651, %dma_start3A_652] : memref<2x400x128xf32, #tpu.memory_space<vmem>> -> memref<1x50x64xf32, #tpu.memory_space<vmem>>
      %dma_start3A_654 = tpu.memref_squeeze %dma_start3A_653 : memref<1x50x64xf32, #tpu.memory_space<vmem>> -> memref<50x64xf32, #tpu.memory_space<vmem>>
      %dma_start3A_655 = arith.constant 0 : i32
      %dma_start3A_656 = arith.constant 0 : i32
      %dma_start3A_657 = tpu.memref_slice %arg4[%add3A_649, %dma_start3A_655, %dma_start3A_656] : memref<4096x50x64xf32, #tpu.memory_space<hbm>> -> memref<1x50x64xf32, #tpu.memory_space<hbm>>
      %dma_start3A_658 = tpu.memref_squeeze %dma_start3A_657 : memref<1x50x64xf32, #tpu.memory_space<hbm>> -> memref<50x64xf32, #tpu.memory_space<hbm>>
      %dma_start3A_659 = arith.constant 0 : i32
      %dma_start3A_660 = arith.constant 0 : i32
      %dma_start3A_661 = tpu.memref_slice %arg4[%add3A_649, %dma_start3A_659, %dma_start3A_660] : memref<4096x50x64xf32, #tpu.memory_space<hbm>> -> memref<1x50x64xf32, #tpu.memory_space<hbm>>
      %dma_start3A_662 = tpu.memref_squeeze %dma_start3A_661 : memref<1x50x64xf32, #tpu.memory_space<hbm>> -> memref<50x64xf32, #tpu.memory_space<hbm>>
      %dma_start3A_663 = arith.constant 300 : i32
      %dma_start3A_664 = arith.constant 0 : i32
      %dma_start3A_665 = tpu.memref_slice %arg6[%dma_start3A_650, %dma_start3A_663, %dma_start3A_664] : memref<2x400x128xf32, #tpu.memory_space<vmem>> -> memref<1x50x64xf32, #tpu.memory_space<vmem>>
      %dma_start3A_666 = tpu.memref_squeeze %dma_start3A_665 : memref<1x50x64xf32, #tpu.memory_space<vmem>> -> memref<50x64xf32, #tpu.memory_space<vmem>>
      tpu.enqueue_dma source(%dma_start3A_666 : memref<50x64xf32, #tpu.memory_space<vmem>>) target(%dma_start3A_662 : memref<50x64xf32, #tpu.memory_space<hbm>>) target_semaphore(%arg10 : memref<!tpu.dma_semaphore, #tpu.memory_space<semaphore_mem>>)
      %mul3A_667 = arith.constant 8 : i32
      %mul3A_668 = arith.muli %add3A_293, %mul3A_667 : i32
      %add3A_669 = arith.addi %mul3A_2, %mul3A_668 : i32
      %add3A_670 = arith.constant 7 : i32
      %add3A_671 = arith.addi %add3A_669, %add3A_670 : i32
      %dma_start3A_672 = arith.constant 1 : i32
      %dma_start3A_673 = arith.constant 350 : i32
      %dma_start3A_674 = arith.constant 0 : i32
      %dma_start3A_675 = tpu.memref_slice %arg6[%dma_start3A_672, %dma_start3A_673, %dma_start3A_674] : memref<2x400x128xf32, #tpu.memory_space<vmem>> -> memref<1x50x64xf32, #tpu.memory_space<vmem>>
      %dma_start3A_676 = tpu.memref_squeeze %dma_start3A_675 : memref<1x50x64xf32, #tpu.memory_space<vmem>> -> memref<50x64xf32, #tpu.memory_space<vmem>>
      %dma_start3A_677 = arith.constant 0 : i32
      %dma_start3A_678 = arith.constant 0 : i32
      %dma_start3A_679 = tpu.memref_slice %arg4[%add3A_671, %dma_start3A_677, %dma_start3A_678] : memref<4096x50x64xf32, #tpu.memory_space<hbm>> -> memref<1x50x64xf32, #tpu.memory_space<hbm>>
      %dma_start3A_680 = tpu.memref_squeeze %dma_start3A_679 : memref<1x50x64xf32, #tpu.memory_space<hbm>> -> memref<50x64xf32, #tpu.memory_space<hbm>>
      %dma_start3A_681 = arith.constant 0 : i32
      %dma_start3A_682 = arith.constant 0 : i32
      %dma_start3A_683 = tpu.memref_slice %arg4[%add3A_671, %dma_start3A_681, %dma_start3A_682] : memref<4096x50x64xf32, #tpu.memory_space<hbm>> -> memref<1x50x64xf32, #tpu.memory_space<hbm>>
      %dma_start3A_684 = tpu.memref_squeeze %dma_start3A_683 : memref<1x50x64xf32, #tpu.memory_space<hbm>> -> memref<50x64xf32, #tpu.memory_space<hbm>>
      %dma_start3A_685 = arith.constant 350 : i32
      %dma_start3A_686 = arith.constant 0 : i32
      %dma_start3A_687 = tpu.memref_slice %arg6[%dma_start3A_672, %dma_start3A_685, %dma_start3A_686] : memref<2x400x128xf32, #tpu.memory_space<vmem>> -> memref<1x50x64xf32, #tpu.memory_space<vmem>>
      %dma_start3A_688 = tpu.memref_squeeze %dma_start3A_687 : memref<1x50x64xf32, #tpu.memory_space<vmem>> -> memref<50x64xf32, #tpu.memory_space<vmem>>
      tpu.enqueue_dma source(%dma_start3A_688 : memref<50x64xf32, #tpu.memory_space<vmem>>) target(%dma_start3A_684 : memref<50x64xf32, #tpu.memory_space<hbm>>) target_semaphore(%arg10 : memref<!tpu.dma_semaphore, #tpu.memory_space<semaphore_mem>>)
    }
    %scan3A_17 = arith.constant 8 : i32
    %dma_wait3A = arith.constant 0 : i32
    %dma_wait3A_18 = arith.constant 0 : i32
    %dma_wait3A_19 = arith.constant 0 : i32
    %dma_wait3A_20 = tpu.memref_slice %arg6[%dma_wait3A, %dma_wait3A_18, %dma_wait3A_19] : memref<2x400x128xf32, #tpu.memory_space<vmem>> -> memref<1x50x64xf32, #tpu.memory_space<vmem>>
    %dma_wait3A_21 = tpu.memref_squeeze %dma_wait3A_20 : memref<1x50x64xf32, #tpu.memory_space<vmem>> -> memref<50x64xf32, #tpu.memory_space<vmem>>
    %dma_wait3A_22 = arith.constant 0 : i32
    %dma_wait3A_23 = arith.constant 0 : i32
    %dma_wait3A_24 = tpu.memref_slice %arg4[%mul3A_2, %dma_wait3A_22, %dma_wait3A_23] : memref<4096x50x64xf32, #tpu.memory_space<hbm>> -> memref<1x50x64xf32, #tpu.memory_space<hbm>>
    %dma_wait3A_25 = tpu.memref_squeeze %dma_wait3A_24 : memref<1x50x64xf32, #tpu.memory_space<hbm>> -> memref<50x64xf32, #tpu.memory_space<hbm>>
    %dma_wait3A_26 = arith.constant 0 : i32
    %dma_wait3A_27 = arith.constant 0 : i32
    %dma_wait3A_28 = tpu.memref_slice %arg4[%mul3A_2, %dma_wait3A_26, %dma_wait3A_27] : memref<4096x50x64xf32, #tpu.memory_space<hbm>> -> memref<1x50x64xf32, #tpu.memory_space<hbm>>
    %dma_wait3A_29 = tpu.memref_squeeze %dma_wait3A_28 : memref<1x50x64xf32, #tpu.memory_space<hbm>> -> memref<50x64xf32, #tpu.memory_space<hbm>>
    %dma_wait3A_30 = arith.constant 0 : i32
    %dma_wait3A_31 = arith.constant 0 : i32
    %dma_wait3A_32 = tpu.memref_slice %arg6[%dma_wait3A, %dma_wait3A_30, %dma_wait3A_31] : memref<2x400x128xf32, #tpu.memory_space<vmem>> -> memref<1x50x64xf32, #tpu.memory_space<vmem>>
    %dma_wait3A_33 = tpu.memref_squeeze %dma_wait3A_32 : memref<1x50x64xf32, #tpu.memory_space<vmem>> -> memref<50x64xf32, #tpu.memory_space<vmem>>
    tpu.wait_dma2 semaphore(%arg9 : memref<!tpu.dma_semaphore, #tpu.memory_space<semaphore_mem>>) src(%dma_wait3A_33 : memref<50x64xf32, #tpu.memory_space<vmem>>) dst(%dma_wait3A_29 : memref<50x64xf32, #tpu.memory_space<hbm>>)
    %dma_wait3A_34 = arith.constant 0 : i32
    %dma_wait3A_35 = arith.constant 50 : i32
    %dma_wait3A_36 = arith.constant 0 : i32
    %dma_wait3A_37 = tpu.memref_slice %arg6[%dma_wait3A_34, %dma_wait3A_35, %dma_wait3A_36] : memref<2x400x128xf32, #tpu.memory_space<vmem>> -> memref<1x50x64xf32, #tpu.memory_space<vmem>>
    %dma_wait3A_38 = tpu.memref_squeeze %dma_wait3A_37 : memref<1x50x64xf32, #tpu.memory_space<vmem>> -> memref<50x64xf32, #tpu.memory_space<vmem>>
    %dma_wait3A_39 = arith.constant 0 : i32
    %dma_wait3A_40 = arith.constant 0 : i32
    %dma_wait3A_41 = tpu.memref_slice %arg4[%mul3A_2, %dma_wait3A_39, %dma_wait3A_40] : memref<4096x50x64xf32, #tpu.memory_space<hbm>> -> memref<1x50x64xf32, #tpu.memory_space<hbm>>
    %dma_wait3A_42 = tpu.memref_squeeze %dma_wait3A_41 : memref<1x50x64xf32, #tpu.memory_space<hbm>> -> memref<50x64xf32, #tpu.memory_space<hbm>>
    %dma_wait3A_43 = arith.constant 0 : i32
    %dma_wait3A_44 = arith.constant 0 : i32
    %dma_wait3A_45 = tpu.memref_slice %arg4[%mul3A_2, %dma_wait3A_43, %dma_wait3A_44] : memref<4096x50x64xf32, #tpu.memory_space<hbm>> -> memref<1x50x64xf32, #tpu.memory_space<hbm>>
    %dma_wait3A_46 = tpu.memref_squeeze %dma_wait3A_45 : memref<1x50x64xf32, #tpu.memory_space<hbm>> -> memref<50x64xf32, #tpu.memory_space<hbm>>
    %dma_wait3A_47 = arith.constant 50 : i32
    %dma_wait3A_48 = arith.constant 0 : i32
    %dma_wait3A_49 = tpu.memref_slice %arg6[%dma_wait3A_34, %dma_wait3A_47, %dma_wait3A_48] : memref<2x400x128xf32, #tpu.memory_space<vmem>> -> memref<1x50x64xf32, #tpu.memory_space<vmem>>
    %dma_wait3A_50 = tpu.memref_squeeze %dma_wait3A_49 : memref<1x50x64xf32, #tpu.memory_space<vmem>> -> memref<50x64xf32, #tpu.memory_space<vmem>>
    tpu.wait_dma2 semaphore(%arg9 : memref<!tpu.dma_semaphore, #tpu.memory_space<semaphore_mem>>) src(%dma_wait3A_50 : memref<50x64xf32, #tpu.memory_space<vmem>>) dst(%dma_wait3A_46 : memref<50x64xf32, #tpu.memory_space<hbm>>)
    %dma_wait3A_51 = arith.constant 0 : i32
    %dma_wait3A_52 = arith.constant 100 : i32
    %dma_wait3A_53 = arith.constant 0 : i32
    %dma_wait3A_54 = tpu.memref_slice %arg6[%dma_wait3A_51, %dma_wait3A_52, %dma_wait3A_53] : memref<2x400x128xf32, #tpu.memory_space<vmem>> -> memref<1x50x64xf32, #tpu.memory_space<vmem>>
    %dma_wait3A_55 = tpu.memref_squeeze %dma_wait3A_54 : memref<1x50x64xf32, #tpu.memory_space<vmem>> -> memref<50x64xf32, #tpu.memory_space<vmem>>
    %dma_wait3A_56 = arith.constant 0 : i32
    %dma_wait3A_57 = arith.constant 0 : i32
    %dma_wait3A_58 = tpu.memref_slice %arg4[%mul3A_2, %dma_wait3A_56, %dma_wait3A_57] : memref<4096x50x64xf32, #tpu.memory_space<hbm>> -> memref<1x50x64xf32, #tpu.memory_space<hbm>>
    %dma_wait3A_59 = tpu.memref_squeeze %dma_wait3A_58 : memref<1x50x64xf32, #tpu.memory_space<hbm>> -> memref<50x64xf32, #tpu.memory_space<hbm>>
    %dma_wait3A_60 = arith.constant 0 : i32
    %dma_wait3A_61 = arith.constant 0 : i32
    %dma_wait3A_62 = tpu.memref_slice %arg4[%mul3A_2, %dma_wait3A_60, %dma_wait3A_61] : memref<4096x50x64xf32, #tpu.memory_space<hbm>> -> memref<1x50x64xf32, #tpu.memory_space<hbm>>
    %dma_wait3A_63 = tpu.memref_squeeze %dma_wait3A_62 : memref<1x50x64xf32, #tpu.memory_space<hbm>> -> memref<50x64xf32, #tpu.memory_space<hbm>>
    %dma_wait3A_64 = arith.constant 100 : i32
    %dma_wait3A_65 = arith.constant 0 : i32
    %dma_wait3A_66 = tpu.memref_slice %arg6[%dma_wait3A_51, %dma_wait3A_64, %dma_wait3A_65] : memref<2x400x128xf32, #tpu.memory_space<vmem>> -> memref<1x50x64xf32, #tpu.memory_space<vmem>>
    %dma_wait3A_67 = tpu.memref_squeeze %dma_wait3A_66 : memref<1x50x64xf32, #tpu.memory_space<vmem>> -> memref<50x64xf32, #tpu.memory_space<vmem>>
    tpu.wait_dma2 semaphore(%arg9 : memref<!tpu.dma_semaphore, #tpu.memory_space<semaphore_mem>>) src(%dma_wait3A_67 : memref<50x64xf32, #tpu.memory_space<vmem>>) dst(%dma_wait3A_63 : memref<50x64xf32, #tpu.memory_space<hbm>>)
    %dma_wait3A_68 = arith.constant 0 : i32
    %dma_wait3A_69 = arith.constant 150 : i32
    %dma_wait3A_70 = arith.constant 0 : i32
    %dma_wait3A_71 = tpu.memref_slice %arg6[%dma_wait3A_68, %dma_wait3A_69, %dma_wait3A_70] : memref<2x400x128xf32, #tpu.memory_space<vmem>> -> memref<1x50x64xf32, #tpu.memory_space<vmem>>
    %dma_wait3A_72 = tpu.memref_squeeze %dma_wait3A_71 : memref<1x50x64xf32, #tpu.memory_space<vmem>> -> memref<50x64xf32, #tpu.memory_space<vmem>>
    %dma_wait3A_73 = arith.constant 0 : i32
    %dma_wait3A_74 = arith.constant 0 : i32
    %dma_wait3A_75 = tpu.memref_slice %arg4[%mul3A_2, %dma_wait3A_73, %dma_wait3A_74] : memref<4096x50x64xf32, #tpu.memory_space<hbm>> -> memref<1x50x64xf32, #tpu.memory_space<hbm>>
    %dma_wait3A_76 = tpu.memref_squeeze %dma_wait3A_75 : memref<1x50x64xf32, #tpu.memory_space<hbm>> -> memref<50x64xf32, #tpu.memory_space<hbm>>
    %dma_wait3A_77 = arith.constant 0 : i32
    %dma_wait3A_78 = arith.constant 0 : i32
    %dma_wait3A_79 = tpu.memref_slice %arg4[%mul3A_2, %dma_wait3A_77, %dma_wait3A_78] : memref<4096x50x64xf32, #tpu.memory_space<hbm>> -> memref<1x50x64xf32, #tpu.memory_space<hbm>>
    %dma_wait3A_80 = tpu.memref_squeeze %dma_wait3A_79 : memref<1x50x64xf32, #tpu.memory_space<hbm>> -> memref<50x64xf32, #tpu.memory_space<hbm>>
    %dma_wait3A_81 = arith.constant 150 : i32
    %dma_wait3A_82 = arith.constant 0 : i32
    %dma_wait3A_83 = tpu.memref_slice %arg6[%dma_wait3A_68, %dma_wait3A_81, %dma_wait3A_82] : memref<2x400x128xf32, #tpu.memory_space<vmem>> -> memref<1x50x64xf32, #tpu.memory_space<vmem>>
    %dma_wait3A_84 = tpu.memref_squeeze %dma_wait3A_83 : memref<1x50x64xf32, #tpu.memory_space<vmem>> -> memref<50x64xf32, #tpu.memory_space<vmem>>
    tpu.wait_dma2 semaphore(%arg9 : memref<!tpu.dma_semaphore, #tpu.memory_space<semaphore_mem>>) src(%dma_wait3A_84 : memref<50x64xf32, #tpu.memory_space<vmem>>) dst(%dma_wait3A_80 : memref<50x64xf32, #tpu.memory_space<hbm>>)
    %dma_wait3A_85 = arith.constant 0 : i32
    %dma_wait3A_86 = arith.constant 200 : i32
    %dma_wait3A_87 = arith.constant 0 : i32
    %dma_wait3A_88 = tpu.memref_slice %arg6[%dma_wait3A_85, %dma_wait3A_86, %dma_wait3A_87] : memref<2x400x128xf32, #tpu.memory_space<vmem>> -> memref<1x50x64xf32, #tpu.memory_space<vmem>>
    %dma_wait3A_89 = tpu.memref_squeeze %dma_wait3A_88 : memref<1x50x64xf32, #tpu.memory_space<vmem>> -> memref<50x64xf32, #tpu.memory_space<vmem>>
    %dma_wait3A_90 = arith.constant 0 : i32
    %dma_wait3A_91 = arith.constant 0 : i32
    %dma_wait3A_92 = tpu.memref_slice %arg4[%mul3A_2, %dma_wait3A_90, %dma_wait3A_91] : memref<4096x50x64xf32, #tpu.memory_space<hbm>> -> memref<1x50x64xf32, #tpu.memory_space<hbm>>
    %dma_wait3A_93 = tpu.memref_squeeze %dma_wait3A_92 : memref<1x50x64xf32, #tpu.memory_space<hbm>> -> memref<50x64xf32, #tpu.memory_space<hbm>>
    %dma_wait3A_94 = arith.constant 0 : i32
    %dma_wait3A_95 = arith.constant 0 : i32
    %dma_wait3A_96 = tpu.memref_slice %arg4[%mul3A_2, %dma_wait3A_94, %dma_wait3A_95] : memref<4096x50x64xf32, #tpu.memory_space<hbm>> -> memref<1x50x64xf32, #tpu.memory_space<hbm>>
    %dma_wait3A_97 = tpu.memref_squeeze %dma_wait3A_96 : memref<1x50x64xf32, #tpu.memory_space<hbm>> -> memref<50x64xf32, #tpu.memory_space<hbm>>
    %dma_wait3A_98 = arith.constant 200 : i32
    %dma_wait3A_99 = arith.constant 0 : i32
    %dma_wait3A_100 = tpu.memref_slice %arg6[%dma_wait3A_85, %dma_wait3A_98, %dma_wait3A_99] : memref<2x400x128xf32, #tpu.memory_space<vmem>> -> memref<1x50x64xf32, #tpu.memory_space<vmem>>
    %dma_wait3A_101 = tpu.memref_squeeze %dma_wait3A_100 : memref<1x50x64xf32, #tpu.memory_space<vmem>> -> memref<50x64xf32, #tpu.memory_space<vmem>>
    tpu.wait_dma2 semaphore(%arg9 : memref<!tpu.dma_semaphore, #tpu.memory_space<semaphore_mem>>) src(%dma_wait3A_101 : memref<50x64xf32, #tpu.memory_space<vmem>>) dst(%dma_wait3A_97 : memref<50x64xf32, #tpu.memory_space<hbm>>)
    %dma_wait3A_102 = arith.constant 0 : i32
    %dma_wait3A_103 = arith.constant 250 : i32
    %dma_wait3A_104 = arith.constant 0 : i32
    %dma_wait3A_105 = tpu.memref_slice %arg6[%dma_wait3A_102, %dma_wait3A_103, %dma_wait3A_104] : memref<2x400x128xf32, #tpu.memory_space<vmem>> -> memref<1x50x64xf32, #tpu.memory_space<vmem>>
    %dma_wait3A_106 = tpu.memref_squeeze %dma_wait3A_105 : memref<1x50x64xf32, #tpu.memory_space<vmem>> -> memref<50x64xf32, #tpu.memory_space<vmem>>
    %dma_wait3A_107 = arith.constant 0 : i32
    %dma_wait3A_108 = arith.constant 0 : i32
    %dma_wait3A_109 = tpu.memref_slice %arg4[%mul3A_2, %dma_wait3A_107, %dma_wait3A_108] : memref<4096x50x64xf32, #tpu.memory_space<hbm>> -> memref<1x50x64xf32, #tpu.memory_space<hbm>>
    %dma_wait3A_110 = tpu.memref_squeeze %dma_wait3A_109 : memref<1x50x64xf32, #tpu.memory_space<hbm>> -> memref<50x64xf32, #tpu.memory_space<hbm>>
    %dma_wait3A_111 = arith.constant 0 : i32
    %dma_wait3A_112 = arith.constant 0 : i32
    %dma_wait3A_113 = tpu.memref_slice %arg4[%mul3A_2, %dma_wait3A_111, %dma_wait3A_112] : memref<4096x50x64xf32, #tpu.memory_space<hbm>> -> memref<1x50x64xf32, #tpu.memory_space<hbm>>
    %dma_wait3A_114 = tpu.memref_squeeze %dma_wait3A_113 : memref<1x50x64xf32, #tpu.memory_space<hbm>> -> memref<50x64xf32, #tpu.memory_space<hbm>>
    %dma_wait3A_115 = arith.constant 250 : i32
    %dma_wait3A_116 = arith.constant 0 : i32
    %dma_wait3A_117 = tpu.memref_slice %arg6[%dma_wait3A_102, %dma_wait3A_115, %dma_wait3A_116] : memref<2x400x128xf32, #tpu.memory_space<vmem>> -> memref<1x50x64xf32, #tpu.memory_space<vmem>>
    %dma_wait3A_118 = tpu.memref_squeeze %dma_wait3A_117 : memref<1x50x64xf32, #tpu.memory_space<vmem>> -> memref<50x64xf32, #tpu.memory_space<vmem>>
    tpu.wait_dma2 semaphore(%arg9 : memref<!tpu.dma_semaphore, #tpu.memory_space<semaphore_mem>>) src(%dma_wait3A_118 : memref<50x64xf32, #tpu.memory_space<vmem>>) dst(%dma_wait3A_114 : memref<50x64xf32, #tpu.memory_space<hbm>>)
    %dma_wait3A_119 = arith.constant 0 : i32
    %dma_wait3A_120 = arith.constant 300 : i32
    %dma_wait3A_121 = arith.constant 0 : i32
    %dma_wait3A_122 = tpu.memref_slice %arg6[%dma_wait3A_119, %dma_wait3A_120, %dma_wait3A_121] : memref<2x400x128xf32, #tpu.memory_space<vmem>> -> memref<1x50x64xf32, #tpu.memory_space<vmem>>
    %dma_wait3A_123 = tpu.memref_squeeze %dma_wait3A_122 : memref<1x50x64xf32, #tpu.memory_space<vmem>> -> memref<50x64xf32, #tpu.memory_space<vmem>>
    %dma_wait3A_124 = arith.constant 0 : i32
    %dma_wait3A_125 = arith.constant 0 : i32
    %dma_wait3A_126 = tpu.memref_slice %arg4[%mul3A_2, %dma_wait3A_124, %dma_wait3A_125] : memref<4096x50x64xf32, #tpu.memory_space<hbm>> -> memref<1x50x64xf32, #tpu.memory_space<hbm>>
    %dma_wait3A_127 = tpu.memref_squeeze %dma_wait3A_126 : memref<1x50x64xf32, #tpu.memory_space<hbm>> -> memref<50x64xf32, #tpu.memory_space<hbm>>
    %dma_wait3A_128 = arith.constant 0 : i32
    %dma_wait3A_129 = arith.constant 0 : i32
    %dma_wait3A_130 = tpu.memref_slice %arg4[%mul3A_2, %dma_wait3A_128, %dma_wait3A_129] : memref<4096x50x64xf32, #tpu.memory_space<hbm>> -> memref<1x50x64xf32, #tpu.memory_space<hbm>>
    %dma_wait3A_131 = tpu.memref_squeeze %dma_wait3A_130 : memref<1x50x64xf32, #tpu.memory_space<hbm>> -> memref<50x64xf32, #tpu.memory_space<hbm>>
    %dma_wait3A_132 = arith.constant 300 : i32
    %dma_wait3A_133 = arith.constant 0 : i32
    %dma_wait3A_134 = tpu.memref_slice %arg6[%dma_wait3A_119, %dma_wait3A_132, %dma_wait3A_133] : memref<2x400x128xf32, #tpu.memory_space<vmem>> -> memref<1x50x64xf32, #tpu.memory_space<vmem>>
    %dma_wait3A_135 = tpu.memref_squeeze %dma_wait3A_134 : memref<1x50x64xf32, #tpu.memory_space<vmem>> -> memref<50x64xf32, #tpu.memory_space<vmem>>
    tpu.wait_dma2 semaphore(%arg9 : memref<!tpu.dma_semaphore, #tpu.memory_space<semaphore_mem>>) src(%dma_wait3A_135 : memref<50x64xf32, #tpu.memory_space<vmem>>) dst(%dma_wait3A_131 : memref<50x64xf32, #tpu.memory_space<hbm>>)
    %dma_wait3A_136 = arith.constant 0 : i32
    %dma_wait3A_137 = arith.constant 350 : i32
    %dma_wait3A_138 = arith.constant 0 : i32
    %dma_wait3A_139 = tpu.memref_slice %arg6[%dma_wait3A_136, %dma_wait3A_137, %dma_wait3A_138] : memref<2x400x128xf32, #tpu.memory_space<vmem>> -> memref<1x50x64xf32, #tpu.memory_space<vmem>>
    %dma_wait3A_140 = tpu.memref_squeeze %dma_wait3A_139 : memref<1x50x64xf32, #tpu.memory_space<vmem>> -> memref<50x64xf32, #tpu.memory_space<vmem>>
    %dma_wait3A_141 = arith.constant 0 : i32
    %dma_wait3A_142 = arith.constant 0 : i32
    %dma_wait3A_143 = tpu.memref_slice %arg4[%mul3A_2, %dma_wait3A_141, %dma_wait3A_142] : memref<4096x50x64xf32, #tpu.memory_space<hbm>> -> memref<1x50x64xf32, #tpu.memory_space<hbm>>
    %dma_wait3A_144 = tpu.memref_squeeze %dma_wait3A_143 : memref<1x50x64xf32, #tpu.memory_space<hbm>> -> memref<50x64xf32, #tpu.memory_space<hbm>>
    %dma_wait3A_145 = arith.constant 0 : i32
    %dma_wait3A_146 = arith.constant 0 : i32
    %dma_wait3A_147 = tpu.memref_slice %arg4[%mul3A_2, %dma_wait3A_145, %dma_wait3A_146] : memref<4096x50x64xf32, #tpu.memory_space<hbm>> -> memref<1x50x64xf32, #tpu.memory_space<hbm>>
    %dma_wait3A_148 = tpu.memref_squeeze %dma_wait3A_147 : memref<1x50x64xf32, #tpu.memory_space<hbm>> -> memref<50x64xf32, #tpu.memory_space<hbm>>
    %dma_wait3A_149 = arith.constant 350 : i32
    %dma_wait3A_150 = arith.constant 0 : i32
    %dma_wait3A_151 = tpu.memref_slice %arg6[%dma_wait3A_136, %dma_wait3A_149, %dma_wait3A_150] : memref<2x400x128xf32, #tpu.memory_space<vmem>> -> memref<1x50x64xf32, #tpu.memory_space<vmem>>
    %dma_wait3A_152 = tpu.memref_squeeze %dma_wait3A_151 : memref<1x50x64xf32, #tpu.memory_space<vmem>> -> memref<50x64xf32, #tpu.memory_space<vmem>>
    tpu.wait_dma2 semaphore(%arg9 : memref<!tpu.dma_semaphore, #tpu.memory_space<semaphore_mem>>) src(%dma_wait3A_152 : memref<50x64xf32, #tpu.memory_space<vmem>>) dst(%dma_wait3A_148 : memref<50x64xf32, #tpu.memory_space<hbm>>)
    %dma_wait3A_153 = arith.constant 1 : i32
    %dma_wait3A_154 = arith.constant 0 : i32
    %dma_wait3A_155 = arith.constant 0 : i32
    %dma_wait3A_156 = tpu.memref_slice %arg6[%dma_wait3A_153, %dma_wait3A_154, %dma_wait3A_155] : memref<2x400x128xf32, #tpu.memory_space<vmem>> -> memref<1x50x64xf32, #tpu.memory_space<vmem>>
    %dma_wait3A_157 = tpu.memref_squeeze %dma_wait3A_156 : memref<1x50x64xf32, #tpu.memory_space<vmem>> -> memref<50x64xf32, #tpu.memory_space<vmem>>
    %dma_wait3A_158 = arith.constant 0 : i32
    %dma_wait3A_159 = arith.constant 0 : i32
    %dma_wait3A_160 = tpu.memref_slice %arg4[%mul3A_2, %dma_wait3A_158, %dma_wait3A_159] : memref<4096x50x64xf32, #tpu.memory_space<hbm>> -> memref<1x50x64xf32, #tpu.memory_space<hbm>>
    %dma_wait3A_161 = tpu.memref_squeeze %dma_wait3A_160 : memref<1x50x64xf32, #tpu.memory_space<hbm>> -> memref<50x64xf32, #tpu.memory_space<hbm>>
    %dma_wait3A_162 = arith.constant 0 : i32
    %dma_wait3A_163 = arith.constant 0 : i32
    %dma_wait3A_164 = tpu.memref_slice %arg4[%mul3A_2, %dma_wait3A_162, %dma_wait3A_163] : memref<4096x50x64xf32, #tpu.memory_space<hbm>> -> memref<1x50x64xf32, #tpu.memory_space<hbm>>
    %dma_wait3A_165 = tpu.memref_squeeze %dma_wait3A_164 : memref<1x50x64xf32, #tpu.memory_space<hbm>> -> memref<50x64xf32, #tpu.memory_space<hbm>>
    %dma_wait3A_166 = arith.constant 0 : i32
    %dma_wait3A_167 = arith.constant 0 : i32
    %dma_wait3A_168 = tpu.memref_slice %arg6[%dma_wait3A_153, %dma_wait3A_166, %dma_wait3A_167] : memref<2x400x128xf32, #tpu.memory_space<vmem>> -> memref<1x50x64xf32, #tpu.memory_space<vmem>>
    %dma_wait3A_169 = tpu.memref_squeeze %dma_wait3A_168 : memref<1x50x64xf32, #tpu.memory_space<vmem>> -> memref<50x64xf32, #tpu.memory_space<vmem>>
    tpu.wait_dma2 semaphore(%arg10 : memref<!tpu.dma_semaphore, #tpu.memory_space<semaphore_mem>>) src(%dma_wait3A_169 : memref<50x64xf32, #tpu.memory_space<vmem>>) dst(%dma_wait3A_165 : memref<50x64xf32, #tpu.memory_space<hbm>>)
    %dma_wait3A_170 = arith.constant 1 : i32
    %dma_wait3A_171 = arith.constant 50 : i32
    %dma_wait3A_172 = arith.constant 0 : i32
    %dma_wait3A_173 = tpu.memref_slice %arg6[%dma_wait3A_170, %dma_wait3A_171, %dma_wait3A_172] : memref<2x400x128xf32, #tpu.memory_space<vmem>> -> memref<1x50x64xf32, #tpu.memory_space<vmem>>
    %dma_wait3A_174 = tpu.memref_squeeze %dma_wait3A_173 : memref<1x50x64xf32, #tpu.memory_space<vmem>> -> memref<50x64xf32, #tpu.memory_space<vmem>>
    %dma_wait3A_175 = arith.constant 0 : i32
    %dma_wait3A_176 = arith.constant 0 : i32
    %dma_wait3A_177 = tpu.memref_slice %arg4[%mul3A_2, %dma_wait3A_175, %dma_wait3A_176] : memref<4096x50x64xf32, #tpu.memory_space<hbm>> -> memref<1x50x64xf32, #tpu.memory_space<hbm>>
    %dma_wait3A_178 = tpu.memref_squeeze %dma_wait3A_177 : memref<1x50x64xf32, #tpu.memory_space<hbm>> -> memref<50x64xf32, #tpu.memory_space<hbm>>
    %dma_wait3A_179 = arith.constant 0 : i32
    %dma_wait3A_180 = arith.constant 0 : i32
    %dma_wait3A_181 = tpu.memref_slice %arg4[%mul3A_2, %dma_wait3A_179, %dma_wait3A_180] : memref<4096x50x64xf32, #tpu.memory_space<hbm>> -> memref<1x50x64xf32, #tpu.memory_space<hbm>>
    %dma_wait3A_182 = tpu.memref_squeeze %dma_wait3A_181 : memref<1x50x64xf32, #tpu.memory_space<hbm>> -> memref<50x64xf32, #tpu.memory_space<hbm>>
    %dma_wait3A_183 = arith.constant 50 : i32
    %dma_wait3A_184 = arith.constant 0 : i32
    %dma_wait3A_185 = tpu.memref_slice %arg6[%dma_wait3A_170, %dma_wait3A_183, %dma_wait3A_184] : memref<2x400x128xf32, #tpu.memory_space<vmem>> -> memref<1x50x64xf32, #tpu.memory_space<vmem>>
    %dma_wait3A_186 = tpu.memref_squeeze %dma_wait3A_185 : memref<1x50x64xf32, #tpu.memory_space<vmem>> -> memref<50x64xf32, #tpu.memory_space<vmem>>
    tpu.wait_dma2 semaphore(%arg10 : memref<!tpu.dma_semaphore, #tpu.memory_space<semaphore_mem>>) src(%dma_wait3A_186 : memref<50x64xf32, #tpu.memory_space<vmem>>) dst(%dma_wait3A_182 : memref<50x64xf32, #tpu.memory_space<hbm>>)
    %dma_wait3A_187 = arith.constant 1 : i32
    %dma_wait3A_188 = arith.constant 100 : i32
    %dma_wait3A_189 = arith.constant 0 : i32
    %dma_wait3A_190 = tpu.memref_slice %arg6[%dma_wait3A_187, %dma_wait3A_188, %dma_wait3A_189] : memref<2x400x128xf32, #tpu.memory_space<vmem>> -> memref<1x50x64xf32, #tpu.memory_space<vmem>>
    %dma_wait3A_191 = tpu.memref_squeeze %dma_wait3A_190 : memref<1x50x64xf32, #tpu.memory_space<vmem>> -> memref<50x64xf32, #tpu.memory_space<vmem>>
    %dma_wait3A_192 = arith.constant 0 : i32
    %dma_wait3A_193 = arith.constant 0 : i32
    %dma_wait3A_194 = tpu.memref_slice %arg4[%mul3A_2, %dma_wait3A_192, %dma_wait3A_193] : memref<4096x50x64xf32, #tpu.memory_space<hbm>> -> memref<1x50x64xf32, #tpu.memory_space<hbm>>
    %dma_wait3A_195 = tpu.memref_squeeze %dma_wait3A_194 : memref<1x50x64xf32, #tpu.memory_space<hbm>> -> memref<50x64xf32, #tpu.memory_space<hbm>>
    %dma_wait3A_196 = arith.constant 0 : i32
    %dma_wait3A_197 = arith.constant 0 : i32
    %dma_wait3A_198 = tpu.memref_slice %arg4[%mul3A_2, %dma_wait3A_196, %dma_wait3A_197] : memref<4096x50x64xf32, #tpu.memory_space<hbm>> -> memref<1x50x64xf32, #tpu.memory_space<hbm>>
    %dma_wait3A_199 = tpu.memref_squeeze %dma_wait3A_198 : memref<1x50x64xf32, #tpu.memory_space<hbm>> -> memref<50x64xf32, #tpu.memory_space<hbm>>
    %dma_wait3A_200 = arith.constant 100 : i32
    %dma_wait3A_201 = arith.constant 0 : i32
    %dma_wait3A_202 = tpu.memref_slice %arg6[%dma_wait3A_187, %dma_wait3A_200, %dma_wait3A_201] : memref<2x400x128xf32, #tpu.memory_space<vmem>> -> memref<1x50x64xf32, #tpu.memory_space<vmem>>
    %dma_wait3A_203 = tpu.memref_squeeze %dma_wait3A_202 : memref<1x50x64xf32, #tpu.memory_space<vmem>> -> memref<50x64xf32, #tpu.memory_space<vmem>>
    tpu.wait_dma2 semaphore(%arg10 : memref<!tpu.dma_semaphore, #tpu.memory_space<semaphore_mem>>) src(%dma_wait3A_203 : memref<50x64xf32, #tpu.memory_space<vmem>>) dst(%dma_wait3A_199 : memref<50x64xf32, #tpu.memory_space<hbm>>)
    %dma_wait3A_204 = arith.constant 1 : i32
    %dma_wait3A_205 = arith.constant 150 : i32
    %dma_wait3A_206 = arith.constant 0 : i32
    %dma_wait3A_207 = tpu.memref_slice %arg6[%dma_wait3A_204, %dma_wait3A_205, %dma_wait3A_206] : memref<2x400x128xf32, #tpu.memory_space<vmem>> -> memref<1x50x64xf32, #tpu.memory_space<vmem>>
    %dma_wait3A_208 = tpu.memref_squeeze %dma_wait3A_207 : memref<1x50x64xf32, #tpu.memory_space<vmem>> -> memref<50x64xf32, #tpu.memory_space<vmem>>
    %dma_wait3A_209 = arith.constant 0 : i32
    %dma_wait3A_210 = arith.constant 0 : i32
    %dma_wait3A_211 = tpu.memref_slice %arg4[%mul3A_2, %dma_wait3A_209, %dma_wait3A_210] : memref<4096x50x64xf32, #tpu.memory_space<hbm>> -> memref<1x50x64xf32, #tpu.memory_space<hbm>>
    %dma_wait3A_212 = tpu.memref_squeeze %dma_wait3A_211 : memref<1x50x64xf32, #tpu.memory_space<hbm>> -> memref<50x64xf32, #tpu.memory_space<hbm>>
    %dma_wait3A_213 = arith.constant 0 : i32
    %dma_wait3A_214 = arith.constant 0 : i32
    %dma_wait3A_215 = tpu.memref_slice %arg4[%mul3A_2, %dma_wait3A_213, %dma_wait3A_214] : memref<4096x50x64xf32, #tpu.memory_space<hbm>> -> memref<1x50x64xf32, #tpu.memory_space<hbm>>
    %dma_wait3A_216 = tpu.memref_squeeze %dma_wait3A_215 : memref<1x50x64xf32, #tpu.memory_space<hbm>> -> memref<50x64xf32, #tpu.memory_space<hbm>>
    %dma_wait3A_217 = arith.constant 150 : i32
    %dma_wait3A_218 = arith.constant 0 : i32
    %dma_wait3A_219 = tpu.memref_slice %arg6[%dma_wait3A_204, %dma_wait3A_217, %dma_wait3A_218] : memref<2x400x128xf32, #tpu.memory_space<vmem>> -> memref<1x50x64xf32, #tpu.memory_space<vmem>>
    %dma_wait3A_220 = tpu.memref_squeeze %dma_wait3A_219 : memref<1x50x64xf32, #tpu.memory_space<vmem>> -> memref<50x64xf32, #tpu.memory_space<vmem>>
    tpu.wait_dma2 semaphore(%arg10 : memref<!tpu.dma_semaphore, #tpu.memory_space<semaphore_mem>>) src(%dma_wait3A_220 : memref<50x64xf32, #tpu.memory_space<vmem>>) dst(%dma_wait3A_216 : memref<50x64xf32, #tpu.memory_space<hbm>>)
    %dma_wait3A_221 = arith.constant 1 : i32
    %dma_wait3A_222 = arith.constant 200 : i32
    %dma_wait3A_223 = arith.constant 0 : i32
    %dma_wait3A_224 = tpu.memref_slice %arg6[%dma_wait3A_221, %dma_wait3A_222, %dma_wait3A_223] : memref<2x400x128xf32, #tpu.memory_space<vmem>> -> memref<1x50x64xf32, #tpu.memory_space<vmem>>
    %dma_wait3A_225 = tpu.memref_squeeze %dma_wait3A_224 : memref<1x50x64xf32, #tpu.memory_space<vmem>> -> memref<50x64xf32, #tpu.memory_space<vmem>>
    %dma_wait3A_226 = arith.constant 0 : i32
    %dma_wait3A_227 = arith.constant 0 : i32
    %dma_wait3A_228 = tpu.memref_slice %arg4[%mul3A_2, %dma_wait3A_226, %dma_wait3A_227] : memref<4096x50x64xf32, #tpu.memory_space<hbm>> -> memref<1x50x64xf32, #tpu.memory_space<hbm>>
    %dma_wait3A_229 = tpu.memref_squeeze %dma_wait3A_228 : memref<1x50x64xf32, #tpu.memory_space<hbm>> -> memref<50x64xf32, #tpu.memory_space<hbm>>
    %dma_wait3A_230 = arith.constant 0 : i32
    %dma_wait3A_231 = arith.constant 0 : i32
    %dma_wait3A_232 = tpu.memref_slice %arg4[%mul3A_2, %dma_wait3A_230, %dma_wait3A_231] : memref<4096x50x64xf32, #tpu.memory_space<hbm>> -> memref<1x50x64xf32, #tpu.memory_space<hbm>>
    %dma_wait3A_233 = tpu.memref_squeeze %dma_wait3A_232 : memref<1x50x64xf32, #tpu.memory_space<hbm>> -> memref<50x64xf32, #tpu.memory_space<hbm>>
    %dma_wait3A_234 = arith.constant 200 : i32
    %dma_wait3A_235 = arith.constant 0 : i32
    %dma_wait3A_236 = tpu.memref_slice %arg6[%dma_wait3A_221, %dma_wait3A_234, %dma_wait3A_235] : memref<2x400x128xf32, #tpu.memory_space<vmem>> -> memref<1x50x64xf32, #tpu.memory_space<vmem>>
    %dma_wait3A_237 = tpu.memref_squeeze %dma_wait3A_236 : memref<1x50x64xf32, #tpu.memory_space<vmem>> -> memref<50x64xf32, #tpu.memory_space<vmem>>
    tpu.wait_dma2 semaphore(%arg10 : memref<!tpu.dma_semaphore, #tpu.memory_space<semaphore_mem>>) src(%dma_wait3A_237 : memref<50x64xf32, #tpu.memory_space<vmem>>) dst(%dma_wait3A_233 : memref<50x64xf32, #tpu.memory_space<hbm>>)
    %dma_wait3A_238 = arith.constant 1 : i32
    %dma_wait3A_239 = arith.constant 250 : i32
    %dma_wait3A_240 = arith.constant 0 : i32
    %dma_wait3A_241 = tpu.memref_slice %arg6[%dma_wait3A_238, %dma_wait3A_239, %dma_wait3A_240] : memref<2x400x128xf32, #tpu.memory_space<vmem>> -> memref<1x50x64xf32, #tpu.memory_space<vmem>>
    %dma_wait3A_242 = tpu.memref_squeeze %dma_wait3A_241 : memref<1x50x64xf32, #tpu.memory_space<vmem>> -> memref<50x64xf32, #tpu.memory_space<vmem>>
    %dma_wait3A_243 = arith.constant 0 : i32
    %dma_wait3A_244 = arith.constant 0 : i32
    %dma_wait3A_245 = tpu.memref_slice %arg4[%mul3A_2, %dma_wait3A_243, %dma_wait3A_244] : memref<4096x50x64xf32, #tpu.memory_space<hbm>> -> memref<1x50x64xf32, #tpu.memory_space<hbm>>
    %dma_wait3A_246 = tpu.memref_squeeze %dma_wait3A_245 : memref<1x50x64xf32, #tpu.memory_space<hbm>> -> memref<50x64xf32, #tpu.memory_space<hbm>>
    %dma_wait3A_247 = arith.constant 0 : i32
    %dma_wait3A_248 = arith.constant 0 : i32
    %dma_wait3A_249 = tpu.memref_slice %arg4[%mul3A_2, %dma_wait3A_247, %dma_wait3A_248] : memref<4096x50x64xf32, #tpu.memory_space<hbm>> -> memref<1x50x64xf32, #tpu.memory_space<hbm>>
    %dma_wait3A_250 = tpu.memref_squeeze %dma_wait3A_249 : memref<1x50x64xf32, #tpu.memory_space<hbm>> -> memref<50x64xf32, #tpu.memory_space<hbm>>
    %dma_wait3A_251 = arith.constant 250 : i32
    %dma_wait3A_252 = arith.constant 0 : i32
    %dma_wait3A_253 = tpu.memref_slice %arg6[%dma_wait3A_238, %dma_wait3A_251, %dma_wait3A_252] : memref<2x400x128xf32, #tpu.memory_space<vmem>> -> memref<1x50x64xf32, #tpu.memory_space<vmem>>
    %dma_wait3A_254 = tpu.memref_squeeze %dma_wait3A_253 : memref<1x50x64xf32, #tpu.memory_space<vmem>> -> memref<50x64xf32, #tpu.memory_space<vmem>>
    tpu.wait_dma2 semaphore(%arg10 : memref<!tpu.dma_semaphore, #tpu.memory_space<semaphore_mem>>) src(%dma_wait3A_254 : memref<50x64xf32, #tpu.memory_space<vmem>>) dst(%dma_wait3A_250 : memref<50x64xf32, #tpu.memory_space<hbm>>)
    %dma_wait3A_255 = arith.constant 1 : i32
    %dma_wait3A_256 = arith.constant 300 : i32
    %dma_wait3A_257 = arith.constant 0 : i32
    %dma_wait3A_258 = tpu.memref_slice %arg6[%dma_wait3A_255, %dma_wait3A_256, %dma_wait3A_257] : memref<2x400x128xf32, #tpu.memory_space<vmem>> -> memref<1x50x64xf32, #tpu.memory_space<vmem>>
    %dma_wait3A_259 = tpu.memref_squeeze %dma_wait3A_258 : memref<1x50x64xf32, #tpu.memory_space<vmem>> -> memref<50x64xf32, #tpu.memory_space<vmem>>
    %dma_wait3A_260 = arith.constant 0 : i32
    %dma_wait3A_261 = arith.constant 0 : i32
    %dma_wait3A_262 = tpu.memref_slice %arg4[%mul3A_2, %dma_wait3A_260, %dma_wait3A_261] : memref<4096x50x64xf32, #tpu.memory_space<hbm>> -> memref<1x50x64xf32, #tpu.memory_space<hbm>>
    %dma_wait3A_263 = tpu.memref_squeeze %dma_wait3A_262 : memref<1x50x64xf32, #tpu.memory_space<hbm>> -> memref<50x64xf32, #tpu.memory_space<hbm>>
    %dma_wait3A_264 = arith.constant 0 : i32
    %dma_wait3A_265 = arith.constant 0 : i32
    %dma_wait3A_266 = tpu.memref_slice %arg4[%mul3A_2, %dma_wait3A_264, %dma_wait3A_265] : memref<4096x50x64xf32, #tpu.memory_space<hbm>> -> memref<1x50x64xf32, #tpu.memory_space<hbm>>
    %dma_wait3A_267 = tpu.memref_squeeze %dma_wait3A_266 : memref<1x50x64xf32, #tpu.memory_space<hbm>> -> memref<50x64xf32, #tpu.memory_space<hbm>>
    %dma_wait3A_268 = arith.constant 300 : i32
    %dma_wait3A_269 = arith.constant 0 : i32
    %dma_wait3A_270 = tpu.memref_slice %arg6[%dma_wait3A_255, %dma_wait3A_268, %dma_wait3A_269] : memref<2x400x128xf32, #tpu.memory_space<vmem>> -> memref<1x50x64xf32, #tpu.memory_space<vmem>>
    %dma_wait3A_271 = tpu.memref_squeeze %dma_wait3A_270 : memref<1x50x64xf32, #tpu.memory_space<vmem>> -> memref<50x64xf32, #tpu.memory_space<vmem>>
    tpu.wait_dma2 semaphore(%arg10 : memref<!tpu.dma_semaphore, #tpu.memory_space<semaphore_mem>>) src(%dma_wait3A_271 : memref<50x64xf32, #tpu.memory_space<vmem>>) dst(%dma_wait3A_267 : memref<50x64xf32, #tpu.memory_space<hbm>>)
    %dma_wait3A_272 = arith.constant 1 : i32
    %dma_wait3A_273 = arith.constant 350 : i32
    %dma_wait3A_274 = arith.constant 0 : i32
    %dma_wait3A_275 = tpu.memref_slice %arg6[%dma_wait3A_272, %dma_wait3A_273, %dma_wait3A_274] : memref<2x400x128xf32, #tpu.memory_space<vmem>> -> memref<1x50x64xf32, #tpu.memory_space<vmem>>
    %dma_wait3A_276 = tpu.memref_squeeze %dma_wait3A_275 : memref<1x50x64xf32, #tpu.memory_space<vmem>> -> memref<50x64xf32, #tpu.memory_space<vmem>>
    %dma_wait3A_277 = arith.constant 0 : i32
    %dma_wait3A_278 = arith.constant 0 : i32
    %dma_wait3A_279 = tpu.memref_slice %arg4[%mul3A_2, %dma_wait3A_277, %dma_wait3A_278] : memref<4096x50x64xf32, #tpu.memory_space<hbm>> -> memref<1x50x64xf32, #tpu.memory_space<hbm>>
    %dma_wait3A_280 = tpu.memref_squeeze %dma_wait3A_279 : memref<1x50x64xf32, #tpu.memory_space<hbm>> -> memref<50x64xf32, #tpu.memory_space<hbm>>
    %dma_wait3A_281 = arith.constant 0 : i32
    %dma_wait3A_282 = arith.constant 0 : i32
    %dma_wait3A_283 = tpu.memref_slice %arg4[%mul3A_2, %dma_wait3A_281, %dma_wait3A_282] : memref<4096x50x64xf32, #tpu.memory_space<hbm>> -> memref<1x50x64xf32, #tpu.memory_space<hbm>>
    %dma_wait3A_284 = tpu.memref_squeeze %dma_wait3A_283 : memref<1x50x64xf32, #tpu.memory_space<hbm>> -> memref<50x64xf32, #tpu.memory_space<hbm>>
    %dma_wait3A_285 = arith.constant 350 : i32
    %dma_wait3A_286 = arith.constant 0 : i32
    %dma_wait3A_287 = tpu.memref_slice %arg6[%dma_wait3A_272, %dma_wait3A_285, %dma_wait3A_286] : memref<2x400x128xf32, #tpu.memory_space<vmem>> -> memref<1x50x64xf32, #tpu.memory_space<vmem>>
    %dma_wait3A_288 = tpu.memref_squeeze %dma_wait3A_287 : memref<1x50x64xf32, #tpu.memory_space<vmem>> -> memref<50x64xf32, #tpu.memory_space<vmem>>
    tpu.wait_dma2 semaphore(%arg10 : memref<!tpu.dma_semaphore, #tpu.memory_space<semaphore_mem>>) src(%dma_wait3A_288 : memref<50x64xf32, #tpu.memory_space<vmem>>) dst(%dma_wait3A_284 : memref<50x64xf32, #tpu.memory_space<hbm>>)
    return
  }
}

</mosaic_0001>

<sc_bundles>
// kernel: kernel.3.cloned.1.call-start
scs
__scs_entry_jumppad:
0x0: {  	(pc) =	sbr.rel $0x88, $3  }
0x1: {  	(tag) =	ssettag $0x0;
	lr =	simm.s32 $0x1  }
0x2: {  	[smem:$0x3F9F] =	sst lr;
	_ =	strace $0xD0000000  }
0x3: {  	_ = 	snop  }
0x4: {  	_ = 	snop  }
0x5: {  	_ = 	snop  }
0x6: {  	_ = 	snop  }
0x7: {  	_ = 	snop  }
__scs_overlays_trampoline_lowered:
0x8: {  	[smem:$0x3FAE] =	sst s0  }
0x9: {  	[smem:$0x3FAF] =	sst s1  }
0xa: {  	[smem:$0x3FB0] =	sst s2  }
0xb: {  	[smem:$0x3FB1] =	sst s3  }
0xc: {  	[smem:$0x3FB2] =	sst s4  }
0xd: {  	[smem:$0x3FB3] =	sst s5  }
0xe: {  	[smem:$0x3FB4] =	sst s6  }
0xf: {  	[smem:$0x3FB5] =	sst s7  }
0x10: {  	[smem:$0x3FB6] =	sst s8  }
0x11: {  	[smem:$0x3FB7] =	sst s9;
	s0 =	simm.s32 @!p0 $0x0  }
0x12: {  	s1 =	sld [smem:$0x3F9D];
	s0 =	simm.s32 @p0 $0x1  }
0x13: {  	[smem:$0x3FB8] =	sst s0;
	s0 =	simm.s32 @!p1 $0x0  }
0x14: {  	s2 =	sld [smem:$0x3F9C];
	s0 =	simm.s32 @p1 $0x1  }
0x15: {  	[smem:$0x3FB9] =	sst s0;
	s0 =	simm.s32 @!p2 $0x0  }
0x16: {  	s3 =	sld [smem:$0x3FDB];
	s0 =	simm.s32 @p2 $0x1  }
0x17: {  	s4 =	simm.s32 $0x1BF5;
	[smem:$0x3FBB] =	sst s0  }
0x18: {  	s0 =	sld [smem:$0x3F9E];
	_ =	swait.ge [sflag:s4], $0x0  }
0x19: {  	s7 =	sld [smem:$0x3F9F]  }
0x1a: {  	s8 =	sadd.s32 $0xFFFFE003, lr  }
0x1b: {  	s9 =	sadd.s32 $0xFFFFFEF7, lr;
	s5 =	simm.s32 $0xFFFFFFFF;
	p2 =	slt.u32 s8, $0xFFFFF086  }
0x1c: {  	p1 =	slt.u32 s9, $0xF7A;
	s5 =	simm.s32 @!p2 $0x0  }
0x1d: {  	s5 =	simm.s32 @p1 $0x1;
	p0 =	seq.s32 s7, s2  }
0x1e: {  	s7 =	smul.u32 @!p0 $0xF7A, s2;
	p2 =	seq.s32 @!p0 s5, $0x0  }
0x1f: {  	s9 =	smul.u32 $0xF7A, s1;
	s8 =	simm.s32 @!p0 $0x1BF5;
	p2 =	por !p2, p0  }
0x20: {  	[sflag:s8] =	ssyncset.s32 @!p0 $0xFFFFF086;
	s6 =	sadd.s32 @!p0 s3, s7;
	s7 =	simm.s32 @!p0 $0x108  }
0x21: {  	s3 =	sadd.s32 s3, s9;
	s6 =	sadd.s32 @!p0 $0x88, s6;
	s7 =	simm.s32 @p2 $0x1082  }
0x22: {  	[simem:s7], [sflag:s8] =	dma.local @!p0 [hbm:s6], $0xF7A  }
0x23: {  	s9 =	sor.u32 $0xD0000000, s2;
	s6 =	simm.s32 $0x108;
	_ =	swait.ge @!p0 [sflag:s8], $0x0  }
0x24: {  	s3 =	sadd.s32 $0x88, s3;
	s6 =	simm.s32 @!p1 $0x1082;
	[sflag:s4] =	ssyncset.s32 $0xFFFFF086  }
0x25: {  	[simem:s6], [sflag:s4] =	dma.local [hbm:s3], $0xF7A  }
0x26: {  	[smem:$0x3F9F] =	sst s1;
	(tag) =	ssettag s2;
	_ =	strace s9  }
0x27: {  	s1 =	sld [smem:$0x3FAF]  }
0x28: {  	s2 =	sld [smem:$0x3FB0]  }
0x29: {  	s4 =	sld [smem:$0x3FB2]  }
0x2a: {  	p0 =	seq.s32 s5, $0x0;
	s5 =	sld [smem:$0x3FB3]  }
0x2b: {  	s6 =	sld [smem:$0x3FB4]  }
0x2c: {  	s7 =	sld [smem:$0x3FB5]  }
0x2d: {  	s3 =	simm.s32 $0x108;
	s8 =	sld [smem:$0x3FB6]  }
0x2e: {  	s3 =	simm.s32 @!p0 $0x1082;
	s9 =	sld [smem:$0x3FB7]  }
0x2f: {  	lr =	sadd.s32 s0, s3;
	s0 =	sld [smem:$0x3FAE]  }
0x30: {  	s3 =	sld [smem:$0x3FB1]  }
0x31: {  	[smem:$0x3FBA] =	sst s10  }
0x32: {  	s10 =	sld [smem:$0x3FB8];
	_ =	sdelay $0x3  }
0x33: {  	p0 =	seq.s32 s10, $0x1;
	s10 =	sld [smem:$0x3FBA];
	_ =	sdelay $0x3  }
0x34: {  	[smem:$0x3FBA] =	sst s10  }
0x35: {  	s10 =	sld [smem:$0x3FB9];
	_ =	sdelay $0x3  }
0x36: {  	p1 =	seq.s32 s10, $0x1;
	s10 =	sld [smem:$0x3FBA];
	_ =	sdelay $0x3  }
0x37: {  	[smem:$0x3FBA] =	sst s10  }
0x38: {  	s10 =	sld [smem:$0x3FBB]  }
0x39: {  	_ = 	snop;
	(pc) =	sbr.ind lr, $3  }
0x3a: {  	_ = 	snop  }
0x3b: {  	_ = 	snop  }
0x3c: {  	p2 =	seq.s32 s10, $0x1;
	s10 =	sld [smem:$0x3FBA]  }
0x3d: {  	_ =	shalt  }
0x3e: {  	_ =	shalt  }
0x3f: {  	_ =	shalt  }
0x40: {  	_ =	shalt  }
0x41: {  	_ =	shalt  }
0x42: {  	_ =	shalt  }
0x43: {  	_ =	shalt  }
0x44: {  	_ =	shalt  }
0x45: {  	_ =	shalt  }
0x46: {  	_ =	shalt  }
0x47: {  	_ =	shalt  }
0x48: {  	_ =	shalt  }
0x49: {  	_ =	shalt  }
0x4a: {  	_ =	shalt  }
0x4b: {  	_ =	shalt  }
0x4c: {  	_ =	shalt  }
0x4d: {  	_ =	shalt  }
0x4e: {  	_ =	shalt  }
0x4f: {  	_ =	shalt  }
0x50: {  	_ =	shalt  }
0x51: {  	_ =	shalt  }
0x52: {  	_ =	shalt  }
0x53: {  	_ =	shalt  }
0x54: {  	_ =	shalt  }
0x55: {  	_ =	shalt  }
0x56: {  	_ =	shalt  }
0x57: {  	_ =	shalt  }
0x58: {  	_ =	shalt  }
0x59: {  	_ =	shalt  }
0x5a: {  	_ =	shalt  }
0x5b: {  	_ =	shalt  }
0x5c: {  	_ =	shalt  }
0x5d: {  	_ =	shalt  }
0x5e: {  	_ =	shalt  }
0x5f: {  	_ =	shalt  }
0x60: {  	_ =	shalt  }
0x61: {  	_ =	shalt  }
0x62: {  	_ =	shalt  }
0x63: {  	_ =	shalt  }
0x64: {  	_ =	shalt  }
0x65: {  	_ =	shalt  }
0x66: {  	_ =	shalt  }
0x67: {  	_ =	shalt  }
0x68: {  	_ =	shalt  }
0x69: {  	_ =	shalt  }
0x6a: {  	_ =	shalt  }
0x6b: {  	_ =	shalt  }
0x6c: {  	_ =	shalt  }
0x6d: {  	_ =	shalt  }
0x6e: {  	_ =	shalt  }
0x6f: {  	_ =	shalt  }
0x70: {  	_ =	shalt  }
0x71: {  	_ =	shalt  }
0x72: {  	_ =	shalt  }
0x73: {  	_ =	shalt  }
0x74: {  	_ =	shalt  }
0x75: {  	_ =	shalt  }
0x76: {  	_ =	shalt  }
0x77: {  	_ =	shalt  }
0x78: {  	_ =	shalt  }
0x79: {  	_ =	shalt  }
0x7a: {  	_ =	shalt  }
0x7b: {  	_ =	shalt  }
0x7c: {  	_ =	shalt  }
0x7d: {  	_ =	shalt  }
0x7e: {  	_ =	shalt  }
0x7f: {  	_ =	shalt  }
0x80: {  	_ =	shalt  }
0x81: {  	_ =	shalt  }
0x82: {  	_ =	shalt  }
0x83: {  	_ =	shalt  }
0x84: {  	_ =	shalt  }
0x85: {  	_ =	shalt  }
0x86: {  	_ =	shalt  }
0x87: {  	_ =	shalt  }
.Lfunc_end0:
.L_simem_size_0:
called_computation.1_lowered:
.L_overlay_start_0:
0x88: {  	s2 =	sld [smem:$0x3FD9]  }
0x89: {  	s3 =	sld [smem:$0x3FFE];
	_ =	sdelay $0x1  }
0x8a: {  	s1 =	srdreg.scid  }
0x8b: {  	s0 =	sand.u32 $0x1, s1  }
0x8c: {  	s17 =	sshll.u32 s0, $0xA;
	s2 =	sadd.s32 s3, s2  }
0x8d: {  	s2 =	sadd.s32 s2, s17  }
0x8e: {  	[smem:$0x3FC6] =	sst s2  }
0x8f: {  	_ = 	snop  }
0x90: {  	s2 =	sld [smem:$0x3FD0];
	(tm) =	ssettm $0x1  }
0x91: {  	s18 =	sld [smem:$0x3FFB];
	_ =	sdelay $0x3  }
0x92: {  	_ =	strace s18  }
0x93: {  	s3 =	sld [smem:$0x3FFC];
	_ =	sdelay $0x3  }
0x94: {  	_ =	strace s3  }
0x95: {  	s3 =	sld [smem:$0x3FFD];
	_ =	sdelay $0x3  }
0x96: {  	_ =	strace s3  }
0x97: {  	_ =	strace $0x8FFFFFFF  }
0x98: {  	s19 =	sld [smem:$0x3FDB];
	_ =	sdelay $0x1  }
0x99: {  	s4 =	simm.s32 $_scs_section_size  }
0x9a: {  	s5 =	simm.s32 $_size__tile_overlayer_lowered;
	s6 =	simm.s32 $_tile_overlayer_lowered  }
0x9b: {  	s22 =	simm.s32 $0x1BFF;
	s21 =	sshll.u32 s6, $0x1;
	s3 =	sadd.s32 s4, s19  }
0x9c: {  	s7 =	simm.s32 $0x0;
	s20 =	sshll.u32 s5, $0x1;
	s5 =	sadd.s32 s21, s3  }
0x9d: {  	[timem:s7], [sflag:s22] =	dma.local [hbm:s5], s20  }
0x9e: {  	_ =	swait.ge [sflag:s22], s20  }
0x9f: {  	s4 =	ssub.s32 $0x0, s20;
	[sflag:s22] =	ssyncset.done $0x0  }
0xa0: {  	[sflag:s22] =	ssyncadd.s32 s4;
	_ =	sdelay $0x1  }
0xa1: {  	s23 =	simm.s32 $0x1B8B  }
0xa2: {  	_ =	swait.ge [sflag:s23], $0x1  }
0xa3: {  	[sflag:s23] =	ssyncset.done $0x0  }
0xa4: {  	s25 =	simm.s32 $0x1B8E;
	s24 =	sld [smem:$0x3FFE];
	[sflag:s23] =	ssyncadd.s32 $0xFFFFFFFF  }
0xa5: {  	s26 =	simm.s32 $execute0_lowered;
	[smem:$0x3FD2] =	sst s25  }
0xa6: {  	s5 =	sshll.u32 s26, $0x1;
	_ =	strace $0x80000046;
	[dreg:$0x1] =	wrdreg $0xFFFFFFFF  }
0xa7: {  	s28 =	simm.s32 $_size_execute0_lowered;
	s3 =	sadd.s32 s3, s5;
	[dreg:$0x0] =	wrdreg $0x0  }
0xa8: {  	s5 =	sshll.u32 s28, $0x1;
	[dreg:$0x2] =	wrdreg s3  }
0xa9: {  	[dreg:$0x3] =	wrdreg s5  }
0xaa: {  	[dreg:$0x4] =	wrdreg $0xC0  }
0xab: {  	_ =	task [dreg:s7], $0x5FFFF  }
0xac: {  	[dreg:$0x1] =	wrdreg $0xFFFFFFFF  }
0xad: {  	[dreg:$0x0] =	wrdreg $0x60  }
0xae: {  	[dreg:$0x2] =	wrdreg s24  }
0xaf: {  	[dreg:$0x3] =	wrdreg s2  }
0xb0: {  	[dreg:$0x4] =	wrdreg $0x9  }
0xb1: {  	_ =	task.clear_ibuf [dreg:s7], $0x5FFFF;
	_ =	strace $0x90000046  }
0xb2: {  	s29 =	simm.s32 $0x9;
	_ =	strace $0x80000048  }
0xb3: {  	_ =	swait.ge [sflag:s29], $0x1  }
0xb4: {  	[sflag:s29] =	ssyncadd.s32 $0xFFFFFFFF  }
0xb5: {  	_ =	strace $0x90000048  }
0xb6: {  	_ =	sfence  }
0xb7: {  	s30 =	sld [smem:$0x0];
	_ =	sdelay $0x2  }
0xb8: {  	s31 =	sshll.u32 s1, $0xD;
	s1 =	sshrl.u32 s1, $0x2  }
0xb9: {  	s3 =	sand.u32 $0x4000, s31;
	s1 =	sadd.s32 s1, s30  }
0xba: {  	s0 =	sor.u32 s3, s0;
	s1 =	sshll.u32 s1, $0x11  }
0xbb: {  	s0 =	sor.u32 s1, s0  }
0xbc: {  	s0 =	sadd.s32 $0x8F2B, s0  }
0xbd: {  	[sflag:s0] =	ssyncadd.remote.s32 $0x1  }
0xbe: {  	_ =	sfence.sel $0xFFFF  }
0xbf: {  	[dreg:$0x0] =	wrdreg $0xFFFFFFFF;
	(pc) =	sbr.abs _section_cstart, $3  }
0xc0: {  	[dreg:$0x1] =	wrdreg $0xFFFFFFFF  }
0xc1: {  	_ =	task.clear_ibuf [dreg:s7], $0x2FFFF;
	_ =	strace $0x9FFFFFFF  }
0xc2: {  	(tm) =	ssettm $0x7FFFFFFF  }
0xc3: {  	_ =	shalt  }
tec
execute0_lowered:
.L_overlay_start_1:
0x0: {  	(tag) =	ssettag $0x1  }
0x1: {  	s4 =	rddreg [dreg:$0x0];
	s1 =	srdreg.scid  }
0x2: {  	s0 =	stileid.u32;
	s2 =	rddreg [dreg:$0x1];
	s3 =	simm.s32 $0x0  }
0x3: {  	s9 =	simm.s32 $0x190;
	s10 =	simm.s32 $0x1900;
	s11 =	simm.s32 $0xE100  }
0x4: {  	s12 =	simm.s32 $0x1;
	s13 =	simm.s32 $0x2;
	s14 =	simm.s32 $0x3  }
0x5: {  	s15 =	simm.s32 $0x4;
	s5 =	sand.u32 $0x1, s1;
	s6 =	sshll.u32 s0, $0x1  }
0x6: {  	s16 =	simm.s32 $0x0;
	s6 =	sor.u32 s5, s6;
	s5 =	ssub.s32 $0x2, s5  }
0x7: {  	[smem:$0x7FF] =	sst s3;
	s7 =	smul.u32 $0x320, s6;
	s8 =	sshrl.u32 s5, $0x1  }
0x8: {  	s1 =	rddreg [dreg:$0x2];
	_ =	strace $0x80000047;
	s8 =	ssub.s32 s5, s8  }
0x9: {  	s5 =	sshll.u32 s6, $0x7;
	s7 =	sadd.s32 s7, s4;
	s4 =	sadd.s32 $0xF49200, s4  }
0xa: {  	s6 =	sadd.s32 $0xF42E00, s7;
	s7 =	smax.u32 s8, $0x1;
	s8 =	simm.s32 $0x5  }
.LBB2_1:
0xb: {  	[tilespmem:s3], [sflag:$0x5] =	stream.linear.gather [hbm4b:s6+s3], $0x1900, $0x38;
	[tilespmem:$0x1A900] =	vst v63  }
0xc: {  	_ =	swait.ge [sflag:s8], $0x1900  }
0xd: {  	[sflag:s8] =	ssyncset.done $0x0  }
0xe: {  	s17 =	simm.s32 $0x0;
	[sflag:s8] =	ssyncadd.s32 $0xFFFFE700  }
0xf: {  	[tilespmem:s10], [sflag:$0x1] =	stream.indirect.gather [hbm4b:s4+s9], $0x80, s3, s9, $0xb8;
	[tilespmem:$0x1A900] =	vst v63  }
.LBB2_3:
0x10: {  	p0 =	seq.s32 s17, $0x0  }
0x11: {  	s19 =	simm.s32 @!p0 $0x4  }
0x12: {  	_ =	swait.ge @!p0 [sflag:s19], $0xC80  }
0x13: {  	[sflag:s19] =	ssyncset.done @!p0 $0x0  }
0x14: {  	[sflag:s19] =	ssyncadd.s32 @!p0 $0xFFFFF380  }
0x15: {  	_ =	swait.ge @!p0 [sflag:s19], $0xC80  }
0x16: {  	[sflag:s19] =	ssyncset.done @!p0 $0x0  }
0x17: {  	[sflag:s19] =	ssyncadd.s32 @!p0 $0xFFFFF380  }
0x18: {  	_ =	swait.ge @!p0 [sflag:s19], $0xC80  }
0x19: {  	[sflag:s19] =	ssyncset.done @!p0 $0x0  }
0x1a: {  	[sflag:s19] =	ssyncadd.s32 @!p0 $0xFFFFF380  }
0x1b: {  	_ =	swait.ge @!p0 [sflag:s19], $0xC80  }
0x1c: {  	[sflag:s19] =	ssyncset.done @!p0 $0x0  }
0x1d: {  	[sflag:s19] =	ssyncadd.s32 @!p0 $0xFFFFF380  }
0x1e: {  	_ =	swait.ge @!p0 [sflag:s19], $0xC80  }
0x1f: {  	[sflag:s19] =	ssyncset.done @!p0 $0x0  }
0x20: {  	[sflag:s19] =	ssyncadd.s32 @!p0 $0xFFFFF380  }
0x21: {  	_ =	swait.ge @!p0 [sflag:s19], $0xC80  }
0x22: {  	[sflag:s19] =	ssyncset.done @!p0 $0x0  }
0x23: {  	[sflag:s19] =	ssyncadd.s32 @!p0 $0xFFFFF380  }
0x24: {  	_ =	swait.ge @!p0 [sflag:s19], $0xC80  }
0x25: {  	[sflag:s19] =	ssyncset.done @!p0 $0x0  }
0x26: {  	s18 =	sshllo.u32 s17, $0x1;
	[sflag:s19] =	ssyncadd.s32 @!p0 $0xFFFFF380  }
0x27: {  	s20 =	smul.u32 $0x640, s18;
	_ =	swait.ge @!p0 [sflag:s19], $0xC80  }
0x28: {  	s30 =	sshll.u32 s17, $0x4;
	[sflag:s19] =	ssyncset.done @!p0 $0x0  }
0x29: {  	s29 =	sshra.s32 s20, $0x2;
	[sflag:s19] =	ssyncadd.s32 @!p0 $0xFFFFF380;
	s19 =	sadd.s32 s5, s30  }
0x2a: {  	[tilespmem:s11], [sflag:$0x2] =	stream.indirect.gather [hbm4b:s4+s9], $0x80, s29, s9, $0xb8;
	[tilespmem:$0x1A900] =	vst v63  }
0x2b: {  	s31 =	smul.u32 $0x190, s19  }
0x2c: {  	s21 =	simm.s32 $0x1900;
	_ =	swait.ge [sflag:s12], $0xC800  }
0x2d: {  	s22 =	simm.s32 $0x8;
	[sflag:s12] =	ssyncset.done $0x0;
	s20 =	sadd.s32 s2, s31  }
0x2e: {  	s23 =	simm.s32 $0x1980;
	[sflag:s12] =	ssyncadd.s32 $0xFFFF3800;
	s24 =	sadd.s32 $0x0, s20  }
.LBB2_4:
0x2f: {  	[hbm4b:s24+s3] =	stream.linear.scatter [tilespmem:s21], [sflag:$0x3], $0x40, $0x38;
	[tilespmem:$0x1A900] =	vst v63  }
0x30: {  	s24 =	smov.u32 s22;
	s21 =	smov.u32 s23;
	p0 =	sne.s32 s22, $0x188  }
.Ltmp0:
0x31: {  	s22 =	sadd.s32 $0x8, s22;
	(pc) =	sbr.rel @p0 .LBB2_4-.Ltmp0, $2  }
0x32: {  	_ =	sdelay $0x2  }
0x33: {  	s23 =	sadd.s32 $0x80, s23;
	s24 =	sadd.s32 s24, s20  }
0x34: {  	s19 =	smul.u32 $0xC80, s19  }
0x35: {  	[hbm4b:s24+s3] =	stream.linear.scatter [tilespmem:s21], [sflag:$0x3], $0x40, $0x38;
	[tilespmem:$0x1A900] =	vst v63  }
0x36: {  	s19 =	sshrl.u32 s19, $0x3  }
0x37: {  	s19 =	sadd.s32 s2, s19  }
0x38: {  	s21 =	simm.s32 $0x3200;
	s20 =	sadd.s32 $0x190, s19  }
0x39: {  	s22 =	simm.s32 $0x8;
	s23 =	simm.s32 $0x3280;
	s24 =	sadd.s32 $0x0, s20  }
.LBB2_6:
0x3a: {  	[hbm4b:s24+s3] =	stream.linear.scatter [tilespmem:s21], [sflag:$0x3], $0x40, $0x38;
	[tilespmem:$0x1A900] =	vst v63  }
0x3b: {  	s24 =	smov.u32 s22;
	s21 =	smov.u32 s23;
	p0 =	sne.s32 s22, $0x188  }
.Ltmp1:
0x3c: {  	s22 =	sadd.s32 $0x8, s22;
	(pc) =	sbr.rel @p0 .LBB2_6-.Ltmp1, $2  }
0x3d: {  	_ =	sdelay $0x2  }
0x3e: {  	s23 =	sadd.s32 $0x80, s23;
	s24 =	sadd.s32 s24, s20  }
0x3f: {  	[hbm4b:s24+s3] =	stream.linear.scatter [tilespmem:s21], [sflag:$0x3], $0x40, $0x38;
	[tilespmem:$0x1A900] =	vst v63  }
0x40: {  	s20 =	sadd.s32 $0x320, s19;
	s21 =	simm.s32 $0x4B00  }
0x41: {  	s22 =	simm.s32 $0x8;
	s23 =	simm.s32 $0x4B80;
	s24 =	sadd.s32 $0x0, s20  }
.LBB2_8:
0x42: {  	[hbm4b:s24+s3] =	stream.linear.scatter [tilespmem:s21], [sflag:$0x3], $0x40, $0x38;
	[tilespmem:$0x1A900] =	vst v63  }
0x43: {  	s24 =	smov.u32 s22;
	s21 =	smov.u32 s23;
	p0 =	sne.s32 s22, $0x188  }
.Ltmp2:
0x44: {  	s22 =	sadd.s32 $0x8, s22;
	(pc) =	sbr.rel @p0 .LBB2_8-.Ltmp2, $2  }
0x45: {  	_ =	sdelay $0x2  }
0x46: {  	s23 =	sadd.s32 $0x80, s23;
	s24 =	sadd.s32 s24, s20  }
0x47: {  	[hbm4b:s24+s3] =	stream.linear.scatter [tilespmem:s21], [sflag:$0x3], $0x40, $0x38;
	[tilespmem:$0x1A900] =	vst v63  }
0x48: {  	s20 =	sadd.s32 $0x4B0, s19;
	s21 =	simm.s32 $0x6400  }
0x49: {  	s22 =	simm.s32 $0x8;
	s23 =	simm.s32 $0x6480;
	s24 =	sadd.s32 $0x0, s20  }
.LBB2_10:
0x4a: {  	[hbm4b:s24+s3] =	stream.linear.scatter [tilespmem:s21], [sflag:$0x3], $0x40, $0x38;
	[tilespmem:$0x1A900] =	vst v63  }
0x4b: {  	s24 =	smov.u32 s22;
	s21 =	smov.u32 s23;
	p0 =	sne.s32 s22, $0x188  }
.Ltmp3:
0x4c: {  	s22 =	sadd.s32 $0x8, s22;
	(pc) =	sbr.rel @p0 .LBB2_10-.Ltmp3, $2  }
0x4d: {  	_ =	sdelay $0x2  }
0x4e: {  	s23 =	sadd.s32 $0x80, s23;
	s24 =	sadd.s32 s24, s20  }
0x4f: {  	[hbm4b:s24+s3] =	stream.linear.scatter [tilespmem:s21], [sflag:$0x3], $0x40, $0x38;
	[tilespmem:$0x1A900] =	vst v63  }
0x50: {  	s20 =	sadd.s32 $0x640, s19;
	s21 =	simm.s32 $0x7D00  }
0x51: {  	s22 =	simm.s32 $0x8;
	s23 =	simm.s32 $0x7D80;
	s24 =	sadd.s32 $0x0, s20  }
.LBB2_12:
0x52: {  	[hbm4b:s24+s3] =	stream.linear.scatter [tilespmem:s21], [sflag:$0x3], $0x40, $0x38;
	[tilespmem:$0x1A900] =	vst v63  }
0x53: {  	s24 =	smov.u32 s22;
	s21 =	smov.u32 s23;
	p0 =	sne.s32 s22, $0x188  }
.Ltmp4:
0x54: {  	s22 =	sadd.s32 $0x8, s22;
	(pc) =	sbr.rel @p0 .LBB2_12-.Ltmp4, $2  }
0x55: {  	_ =	sdelay $0x2  }
0x56: {  	s23 =	sadd.s32 $0x80, s23;
	s24 =	sadd.s32 s24, s20  }
0x57: {  	[hbm4b:s24+s3] =	stream.linear.scatter [tilespmem:s21], [sflag:$0x3], $0x40, $0x38;
	[tilespmem:$0x1A900] =	vst v63  }
0x58: {  	s20 =	sadd.s32 $0x7D0, s19;
	s21 =	simm.s32 $0x9600  }
0x59: {  	s22 =	simm.s32 $0x8;
	s23 =	simm.s32 $0x9680;
	s24 =	sadd.s32 $0x0, s20  }
.LBB2_14:
0x5a: {  	[hbm4b:s24+s3] =	stream.linear.scatter [tilespmem:s21], [sflag:$0x3], $0x40, $0x38;
	[tilespmem:$0x1A900] =	vst v63  }
0x5b: {  	s24 =	smov.u32 s22;
	s21 =	smov.u32 s23;
	p0 =	sne.s32 s22, $0x188  }
.Ltmp5:
0x5c: {  	s22 =	sadd.s32 $0x8, s22;
	(pc) =	sbr.rel @p0 .LBB2_14-.Ltmp5, $2  }
0x5d: {  	_ =	sdelay $0x2  }
0x5e: {  	s23 =	sadd.s32 $0x80, s23;
	s24 =	sadd.s32 s24, s20  }
0x5f: {  	[hbm4b:s24+s3] =	stream.linear.scatter [tilespmem:s21], [sflag:$0x3], $0x40, $0x38;
	[tilespmem:$0x1A900] =	vst v63  }
0x60: {  	s20 =	sadd.s32 $0x960, s19;
	s21 =	simm.s32 $0xAF00  }
0x61: {  	s22 =	simm.s32 $0x8;
	s23 =	simm.s32 $0xAF80;
	s24 =	sadd.s32 $0x0, s20  }
.LBB2_16:
0x62: {  	[hbm4b:s24+s3] =	stream.linear.scatter [tilespmem:s21], [sflag:$0x3], $0x40, $0x38;
	[tilespmem:$0x1A900] =	vst v63  }
0x63: {  	s24 =	smov.u32 s22;
	s21 =	smov.u32 s23;
	p0 =	sne.s32 s22, $0x188  }
.Ltmp6:
0x64: {  	s22 =	sadd.s32 $0x8, s22;
	(pc) =	sbr.rel @p0 .LBB2_16-.Ltmp6, $2  }
0x65: {  	_ =	sdelay $0x2  }
0x66: {  	s23 =	sadd.s32 $0x80, s23;
	s24 =	sadd.s32 s24, s20  }
0x67: {  	[hbm4b:s24+s3] =	stream.linear.scatter [tilespmem:s21], [sflag:$0x3], $0x40, $0x38;
	[tilespmem:$0x1A900] =	vst v63  }
0x68: {  	s19 =	sadd.s32 $0xAF0, s19;
	s20 =	simm.s32 $0xC800  }
0x69: {  	s21 =	simm.s32 $0x8;
	s22 =	simm.s32 $0xC880;
	s23 =	sadd.s32 $0x0, s19  }
.LBB2_18:
0x6a: {  	[hbm4b:s23+s3] =	stream.linear.scatter [tilespmem:s20], [sflag:$0x3], $0x40, $0x38;
	[tilespmem:$0x1A900] =	vst v63  }
0x6b: {  	s23 =	smov.u32 s21;
	s20 =	smov.u32 s22;
	p0 =	sne.s32 s21, $0x188  }
.Ltmp7:
0x6c: {  	s21 =	sadd.s32 $0x8, s21;
	(pc) =	sbr.rel @p0 .LBB2_18-.Ltmp7, $2  }
0x6d: {  	_ =	sdelay $0x2  }
0x6e: {  	s22 =	sadd.s32 $0x80, s22;
	s23 =	sadd.s32 s23, s19  }
0x6f: {  	[hbm4b:s23+s3] =	stream.linear.scatter [tilespmem:s20], [sflag:$0x3], $0x40, $0x38;
	[tilespmem:$0x1A900] =	vst v63  }
0x70: {  	p0 =	seq.s32 s17, $0x7  }
0x71: {  	s19 =	simm.s32 @!p0 $0x3  }
0x72: {  	_ =	swait.ge @!p0 [sflag:s19], $0xC80  }
0x73: {  	[sflag:s19] =	ssyncset.done @!p0 $0x0  }
0x74: {  	[sflag:s19] =	ssyncadd.s32 @!p0 $0xFFFFF380  }
0x75: {  	_ =	swait.ge @!p0 [sflag:s19], $0xC80  }
0x76: {  	[sflag:s19] =	ssyncset.done @!p0 $0x0  }
0x77: {  	[sflag:s19] =	ssyncadd.s32 @!p0 $0xFFFFF380  }
0x78: {  	_ =	swait.ge @!p0 [sflag:s19], $0xC80  }
0x79: {  	[sflag:s19] =	ssyncset.done @!p0 $0x0  }
0x7a: {  	[sflag:s19] =	ssyncadd.s32 @!p0 $0xFFFFF380  }
0x7b: {  	_ =	swait.ge @!p0 [sflag:s19], $0xC80  }
0x7c: {  	[sflag:s19] =	ssyncset.done @!p0 $0x0  }
0x7d: {  	[sflag:s19] =	ssyncadd.s32 @!p0 $0xFFFFF380  }
0x7e: {  	_ =	swait.ge @!p0 [sflag:s19], $0xC80  }
0x7f: {  	[sflag:s19] =	ssyncset.done @!p0 $0x0  }
0x80: {  	[sflag:s19] =	ssyncadd.s32 @!p0 $0xFFFFF380  }
0x81: {  	_ =	swait.ge @!p0 [sflag:s19], $0xC80  }
0x82: {  	[sflag:s19] =	ssyncset.done @!p0 $0x0  }
0x83: {  	[sflag:s19] =	ssyncadd.s32 @!p0 $0xFFFFF380  }
0x84: {  	_ =	swait.ge @!p0 [sflag:s19], $0xC80  }
0x85: {  	[sflag:s19] =	ssyncset.done @!p0 $0x0  }
0x86: {  	[sflag:s19] =	ssyncadd.s32 @!p0 $0xFFFFF380  }
0x87: {  	s20 =	smul.u32 @!p0 $0xC80, s17;
	_ =	swait.ge @!p0 [sflag:s19], $0xC80  }
0x88: {  	s18 =	sshll.u32 s18, $0x3;
	s21 =	simm.s32 @!p0 $0x1900;
	[sflag:s19] =	ssyncset.done @!p0 $0x0  }
0x89: {  	s18 =	sadd.s32 s5, s18;
	[sflag:s19] =	ssyncadd.s32 @!p0 $0xFFFFF380;
	s19 =	sshra.s32 @!p0 s20, $0x2  }
0x8a: {  	s31 =	smul.u32 $0x190, s18;
	s20 =	simm.s32 @!p0 $0x190;
	s19 =	sadd.s32 @!p0 $0x320, s19  }
0x8b: {  	[tilespmem:s21], [sflag:$0x1] =	stream.indirect.gather @!p0 [hbm4b:s4+s20], $0x80, s19, s20, $0xb8;
	[tilespmem:$0x1A900] =	vst v63  }
0x8c: {  	s22 =	simm.s32 $0xE180;
	s17 =	sadd.s32 $0x1, s17;
	_ =	swait.ge [sflag:s13], $0xC800  }
0x8d: {  	s19 =	sadd.s32 s2, s31;
	s20 =	simm.s32 $0xE100;
	[sflag:s13] =	ssyncset.done $0x0  }
0x8e: {  	s21 =	simm.s32 $0x8;
	s23 =	sadd.s32 $0x0, s19;
	[sflag:s13] =	ssyncadd.s32 $0xFFFF3800  }
.LBB2_20:
0x8f: {  	[hbm4b:s23+s3] =	stream.linear.scatter [tilespmem:s20], [sflag:$0x4], $0x40, $0x38;
	[tilespmem:$0x1A900] =	vst v63  }
0x90: {  	s23 =	smov.u32 s21;
	s20 =	smov.u32 s22;
	p0 =	sne.s32 s21, $0x188  }
.Ltmp8:
0x91: {  	s21 =	sadd.s32 $0x8, s21;
	(pc) =	sbr.rel @p0 .LBB2_20-.Ltmp8, $2  }
0x92: {  	_ =	sdelay $0x2  }
0x93: {  	s22 =	sadd.s32 $0x80, s22;
	s23 =	sadd.s32 s23, s19  }
0x94: {  	s18 =	smul.u32 $0xC80, s18  }
0x95: {  	[hbm4b:s23+s3] =	stream.linear.scatter [tilespmem:s20], [sflag:$0x4], $0x40, $0x38;
	[tilespmem:$0x1A900] =	vst v63  }
0x96: {  	s18 =	sshrl.u32 s18, $0x3  }
0x97: {  	s18 =	sadd.s32 s2, s18  }
0x98: {  	s20 =	simm.s32 $0xFA00;
	s19 =	sadd.s32 $0x190, s18  }
0x99: {  	s21 =	simm.s32 $0x8;
	s22 =	simm.s32 $0xFA80;
	s23 =	sadd.s32 $0x0, s19  }
.LBB2_22:
0x9a: {  	[hbm4b:s23+s3] =	stream.linear.scatter [tilespmem:s20], [sflag:$0x4], $0x40, $0x38;
	[tilespmem:$0x1A900] =	vst v63  }
0x9b: {  	s23 =	smov.u32 s21;
	s20 =	smov.u32 s22;
	p0 =	sne.s32 s21, $0x188  }
.Ltmp9:
0x9c: {  	s21 =	sadd.s32 $0x8, s21;
	(pc) =	sbr.rel @p0 .LBB2_22-.Ltmp9, $2  }
0x9d: {  	_ =	sdelay $0x2  }
0x9e: {  	s22 =	sadd.s32 $0x80, s22;
	s23 =	sadd.s32 s23, s19  }
0x9f: {  	[hbm4b:s23+s3] =	stream.linear.scatter [tilespmem:s20], [sflag:$0x4], $0x40, $0x38;
	[tilespmem:$0x1A900] =	vst v63  }
0xa0: {  	s19 =	sadd.s32 $0x320, s18;
	s20 =	simm.s32 $0x11300  }
0xa1: {  	s21 =	simm.s32 $0x8;
	s22 =	simm.s32 $0x11380;
	s23 =	sadd.s32 $0x0, s19  }
.LBB2_24:
0xa2: {  	[hbm4b:s23+s3] =	stream.linear.scatter [tilespmem:s20], [sflag:$0x4], $0x40, $0x38;
	[tilespmem:$0x1A900] =	vst v63  }
0xa3: {  	s23 =	smov.u32 s21;
	s20 =	smov.u32 s22;
	p0 =	sne.s32 s21, $0x188  }
.Ltmp10:
0xa4: {  	s21 =	sadd.s32 $0x8, s21;
	(pc) =	sbr.rel @p0 .LBB2_24-.Ltmp10, $2  }
0xa5: {  	_ =	sdelay $0x2  }
0xa6: {  	s22 =	sadd.s32 $0x80, s22;
	s23 =	sadd.s32 s23, s19  }
0xa7: {  	[hbm4b:s23+s3] =	stream.linear.scatter [tilespmem:s20], [sflag:$0x4], $0x40, $0x38;
	[tilespmem:$0x1A900] =	vst v63  }
0xa8: {  	s19 =	sadd.s32 $0x4B0, s18;
	s20 =	simm.s32 $0x12C00  }
0xa9: {  	s21 =	simm.s32 $0x8;
	s22 =	simm.s32 $0x12C80;
	s23 =	sadd.s32 $0x0, s19  }
.LBB2_26:
0xaa: {  	[hbm4b:s23+s3] =	stream.linear.scatter [tilespmem:s20], [sflag:$0x4], $0x40, $0x38;
	[tilespmem:$0x1A900] =	vst v63  }
0xab: {  	s23 =	smov.u32 s21;
	s20 =	smov.u32 s22;
	p0 =	sne.s32 s21, $0x188  }
.Ltmp11:
0xac: {  	s21 =	sadd.s32 $0x8, s21;
	(pc) =	sbr.rel @p0 .LBB2_26-.Ltmp11, $2  }
0xad: {  	_ =	sdelay $0x2  }
0xae: {  	s22 =	sadd.s32 $0x80, s22;
	s23 =	sadd.s32 s23, s19  }
0xaf: {  	[hbm4b:s23+s3] =	stream.linear.scatter [tilespmem:s20], [sflag:$0x4], $0x40, $0x38;
	[tilespmem:$0x1A900] =	vst v63  }
0xb0: {  	s19 =	sadd.s32 $0x640, s18;
	s20 =	simm.s32 $0x14500  }
0xb1: {  	s21 =	simm.s32 $0x8;
	s22 =	simm.s32 $0x14580;
	s23 =	sadd.s32 $0x0, s19  }
.LBB2_28:
0xb2: {  	[hbm4b:s23+s3] =	stream.linear.scatter [tilespmem:s20], [sflag:$0x4], $0x40, $0x38;
	[tilespmem:$0x1A900] =	vst v63  }
0xb3: {  	s23 =	smov.u32 s21;
	s20 =	smov.u32 s22;
	p0 =	sne.s32 s21, $0x188  }
.Ltmp12:
0xb4: {  	s21 =	sadd.s32 $0x8, s21;
	(pc) =	sbr.rel @p0 .LBB2_28-.Ltmp12, $2  }
0xb5: {  	_ =	sdelay $0x2  }
0xb6: {  	s22 =	sadd.s32 $0x80, s22;
	s23 =	sadd.s32 s23, s19  }
0xb7: {  	[hbm4b:s23+s3] =	stream.linear.scatter [tilespmem:s20], [sflag:$0x4], $0x40, $0x38;
	[tilespmem:$0x1A900] =	vst v63  }
0xb8: {  	s19 =	sadd.s32 $0x7D0, s18;
	s20 =	simm.s32 $0x15E00  }
0xb9: {  	s21 =	simm.s32 $0x8;
	s22 =	simm.s32 $0x15E80;
	s23 =	sadd.s32 $0x0, s19  }
.LBB2_30:
0xba: {  	[hbm4b:s23+s3] =	stream.linear.scatter [tilespmem:s20], [sflag:$0x4], $0x40, $0x38;
	[tilespmem:$0x1A900] =	vst v63  }
0xbb: {  	s23 =	smov.u32 s21;
	s20 =	smov.u32 s22;
	p0 =	sne.s32 s21, $0x188  }
.Ltmp13:
0xbc: {  	s21 =	sadd.s32 $0x8, s21;
	(pc) =	sbr.rel @p0 .LBB2_30-.Ltmp13, $2  }
0xbd: {  	_ =	sdelay $0x2  }
0xbe: {  	s22 =	sadd.s32 $0x80, s22;
	s23 =	sadd.s32 s23, s19  }
0xbf: {  	[hbm4b:s23+s3] =	stream.linear.scatter [tilespmem:s20], [sflag:$0x4], $0x40, $0x38;
	[tilespmem:$0x1A900] =	vst v63  }
0xc0: {  	s19 =	sadd.s32 $0x960, s18;
	s20 =	simm.s32 $0x17700  }
0xc1: {  	s21 =	simm.s32 $0x8;
	s22 =	simm.s32 $0x17780;
	s23 =	sadd.s32 $0x0, s19  }
.LBB2_32:
0xc2: {  	[hbm4b:s23+s3] =	stream.linear.scatter [tilespmem:s20], [sflag:$0x4], $0x40, $0x38;
	[tilespmem:$0x1A900] =	vst v63  }
0xc3: {  	s23 =	smov.u32 s21;
	s20 =	smov.u32 s22;
	p0 =	sne.s32 s21, $0x188  }
.Ltmp14:
0xc4: {  	s21 =	sadd.s32 $0x8, s21;
	(pc) =	sbr.rel @p0 .LBB2_32-.Ltmp14, $2  }
0xc5: {  	_ =	sdelay $0x2  }
0xc6: {  	s22 =	sadd.s32 $0x80, s22;
	s23 =	sadd.s32 s23, s19  }
0xc7: {  	[hbm4b:s23+s3] =	stream.linear.scatter [tilespmem:s20], [sflag:$0x4], $0x40, $0x38;
	[tilespmem:$0x1A900] =	vst v63  }
0xc8: {  	s18 =	sadd.s32 $0xAF0, s18;
	s19 =	simm.s32 $0x19000  }
0xc9: {  	s20 =	simm.s32 $0x8;
	s21 =	simm.s32 $0x19080;
	s22 =	sadd.s32 $0x0, s18  }
.LBB2_34:
0xca: {  	[hbm4b:s22+s3] =	stream.linear.scatter [tilespmem:s19], [sflag:$0x4], $0x40, $0x38;
	[tilespmem:$0x1A900] =	vst v63  }
0xcb: {  	s22 =	smov.u32 s20;
	s19 =	smov.u32 s21;
	p0 =	seq.s32 s20, $0x188  }
.Ltmp15:
0xcc: {  	s20 =	sadd.s32 $0x8, s20;
	(pc) =	sbr.rel @!p0 .LBB2_34-.Ltmp15, $2  }
0xcd: {  	_ =	sdelay $0x2  }
0xce: {  	s21 =	sadd.s32 $0x80, s21;
	s22 =	sadd.s32 s22, s18  }
0xcf: {  	[hbm4b:s22+s3] =	stream.linear.scatter [tilespmem:s19], [sflag:$0x4], $0x40, $0x38;
	[tilespmem:$0x1A900] =	vst v63  }
0xd0: {  	p0 =	seq.s32 s17, $0x8  }
.Ltmp16:
0xd1: {  	_ = 	snop;
	(pc) =	sbr.rel @!p0 .LBB2_3-.Ltmp16, $1  }
0xd2: {  	_ =	sdelay $0x3  }
0xd3: {  	_ =	swait.ge [sflag:s14], $0xC80  }
0xd4: {  	[sflag:s14] =	ssyncset.done $0x0  }
0xd5: {  	[sflag:s14] =	ssyncadd.s32 $0xFFFFF380  }
0xd6: {  	_ =	swait.ge [sflag:s14], $0xC80  }
0xd7: {  	[sflag:s14] =	ssyncset.done $0x0  }
0xd8: {  	[sflag:s14] =	ssyncadd.s32 $0xFFFFF380  }
0xd9: {  	_ =	swait.ge [sflag:s14], $0xC80  }
0xda: {  	[sflag:s14] =	ssyncset.done $0x0  }
0xdb: {  	[sflag:s14] =	ssyncadd.s32 $0xFFFFF380  }
0xdc: {  	_ =	swait.ge [sflag:s14], $0xC80  }
0xdd: {  	[sflag:s14] =	ssyncset.done $0x0  }
0xde: {  	[sflag:s14] =	ssyncadd.s32 $0xFFFFF380  }
0xdf: {  	_ =	swait.ge [sflag:s14], $0xC80  }
0xe0: {  	[sflag:s14] =	ssyncset.done $0x0  }
0xe1: {  	[sflag:s14] =	ssyncadd.s32 $0xFFFFF380  }
0xe2: {  	_ =	swait.ge [sflag:s14], $0xC80  }
0xe3: {  	[sflag:s14] =	ssyncset.done $0x0  }
0xe4: {  	[sflag:s14] =	ssyncadd.s32 $0xFFFFF380  }
0xe5: {  	_ =	swait.ge [sflag:s14], $0xC80  }
0xe6: {  	[sflag:s14] =	ssyncset.done $0x0  }
0xe7: {  	[sflag:s14] =	ssyncadd.s32 $0xFFFFF380  }
0xe8: {  	_ =	swait.ge [sflag:s14], $0xC80  }
0xe9: {  	[sflag:s14] =	ssyncset.done $0x0  }
0xea: {  	[sflag:s14] =	ssyncadd.s32 $0xFFFFF380  }
0xeb: {  	_ =	swait.ge [sflag:s15], $0xC80  }
0xec: {  	[sflag:s15] =	ssyncset.done $0x0  }
0xed: {  	[sflag:s15] =	ssyncadd.s32 $0xFFFFF380  }
0xee: {  	_ =	swait.ge [sflag:s15], $0xC80  }
0xef: {  	[sflag:s15] =	ssyncset.done $0x0  }
0xf0: {  	[sflag:s15] =	ssyncadd.s32 $0xFFFFF380  }
0xf1: {  	_ =	swait.ge [sflag:s15], $0xC80  }
0xf2: {  	[sflag:s15] =	ssyncset.done $0x0  }
0xf3: {  	[sflag:s15] =	ssyncadd.s32 $0xFFFFF380  }
0xf4: {  	_ =	swait.ge [sflag:s15], $0xC80  }
0xf5: {  	[sflag:s15] =	ssyncset.done $0x0  }
0xf6: {  	[sflag:s15] =	ssyncadd.s32 $0xFFFFF380  }
0xf7: {  	_ =	swait.ge [sflag:s15], $0xC80  }
0xf8: {  	[sflag:s15] =	ssyncset.done $0x0  }
0xf9: {  	[sflag:s15] =	ssyncadd.s32 $0xFFFFF380  }
0xfa: {  	_ =	swait.ge [sflag:s15], $0xC80  }
0xfb: {  	[sflag:s15] =	ssyncset.done $0x0  }
0xfc: {  	s16 =	sadd.s32 $0x1, s16;
	[sflag:s15] =	ssyncadd.s32 $0xFFFFF380  }
0xfd: {  	p0 =	sne.s32 s16, s7;
	_ =	swait.ge [sflag:s15], $0xC80  }
.Ltmp17:
0xfe: {  	[sflag:s15] =	ssyncset.done $0x0;
	(pc) =	sbr.rel @p0 .LBB2_1-.Ltmp17, $4  }
0xff: {  	[sflag:s15] =	ssyncadd.s32 $0xFFFFF380  }
0x100: {  	_ =	swait.ge [sflag:s15], $0xC80  }
0x101: {  	[sflag:s15] =	ssyncset.done $0x0  }
0x102: {  	[sflag:s15] =	ssyncadd.s32 $0xFFFFF380  }
0x103: {  	_ =	sfence.sel $0x180000  }
0x104: {  	[bflag:$0x0] =	sbarrier.arrive $0xFFFF  }
0x105: {  	p0 =	sne.s32 s0, $0x0;
	_ =	strace $0x90000047  }
0x106: {  	s0 =	sadd.s32 @!p0 $0x100000, s1;
	[bflag:$0x2] =	sbarrier.arrive $0xFFFF  }
0x107: {  	[sflag:s0] =	ssyncadd.tile.s32 @!p0 $0x1;
	_ =	shalt  }
.Lfunc_end2:
_tile_overlayer_lowered:
.L_overlay_start_2:
0x108: {  	(tag) =	ssettag $0x2  }
0x109: {  	s0 =	rddreg [dreg:$0x0];
	s2 =	stileid.u32  }
0x10a: {  	s1 =	rddreg [dreg:$0x1];
	p0 =	sne.s32 s2, $0x0  }
0x10b: {  	s3 =	rddreg [dreg:$0x2];
	[bflag:$0x3] =	sbarrier.arrive $0xFFFF;
	s2 =	simm.s32 @!p0 $0x1C05  }
0x10c: {  	[timem:s3], [sflag:s2] =	dma.local @!p0 [hbm:s0], s1  }
0x10d: {  	s0 =	simm.s32 @!p0 $0x5  }
0x10e: {  	_ =	swait.ge @!p0 [sflag:s0], s1  }
0x10f: {  	s1 =	ssub.s32 @!p0 $0x0, s1;
	[sflag:s0] =	ssyncset.done @!p0 $0x0  }
0x110: {  	[sflag:s0] =	ssyncadd.s32 @!p0 s1  }
0x111: {  	[bflag:$0x3] =	sbarrier.arrive $0xFFFF  }
0x112: {  	_ =	shalt  }

// kernel: sparse-core-data-format-call.cloned.1.call-start
scs
called_computation_lowered:
.L_overlay_start_0:
0x0: {  	s2 =	sld [smem:$0x3FD9]  }
0x1: {  	s3 =	sld [smem:$0x3FFE];
	_ =	sdelay $0x1  }
0x2: {  	s1 =	srdreg.scid  }
0x3: {  	s0 =	sand.u32 $0x1, s1  }
0x4: {  	s18 =	sshll.u32 s0, $0xA;
	s2 =	sadd.s32 s3, s2  }
0x5: {  	s2 =	sadd.s32 s2, s18  }
0x6: {  	[smem:$0x3FC6] =	sst s2  }
0x7: {  	_ = 	snop  }
0x8: {  	s2 =	sld [smem:$0x3FD0];
	(tm) =	ssettm $0x1  }
0x9: {  	s19 =	sld [smem:$0x3FFB];
	_ =	sdelay $0x3  }
0xa: {  	_ =	strace s19  }
0xb: {  	s3 =	sld [smem:$0x3FFC];
	_ =	sdelay $0x3  }
0xc: {  	_ =	strace s3  }
0xd: {  	s3 =	sld [smem:$0x3FFD];
	_ =	sdelay $0x3  }
0xe: {  	_ =	strace s3  }
0xf: {  	_ =	strace $0x8FFFFFFF  }
0x10: {  	s20 =	sld [smem:$0x3FDB];
	_ =	sdelay $0x1  }
0x11: {  	s4 =	simm.s32 $_scs_section_size  }
0x12: {  	s5 =	simm.s32 $_size__tile_overlayer_lowered;
	s6 =	simm.s32 $_tile_overlayer_lowered  }
0x13: {  	s23 =	simm.s32 $0x1BFF;
	s22 =	sshll.u32 s6, $0x1;
	s3 =	sadd.s32 s4, s20  }
0x14: {  	s7 =	simm.s32 $0x0;
	s21 =	sshll.u32 s5, $0x1;
	s5 =	sadd.s32 s22, s3  }
0x15: {  	[timem:s7], [sflag:s23] =	dma.local [hbm:s5], s21  }
0x16: {  	_ =	swait.ge [sflag:s23], s21  }
0x17: {  	s4 =	ssub.s32 $0x0, s21;
	[sflag:s23] =	ssyncset.done $0x0  }
0x18: {  	[sflag:s23] =	ssyncadd.s32 s4;
	_ =	sdelay $0x1  }
0x19: {  	s24 =	simm.s32 $0x1B8B  }
0x1a: {  	_ =	swait.ge [sflag:s24], $0x1  }
0x1b: {  	[sflag:s24] =	ssyncset.done $0x0  }
0x1c: {  	s26 =	simm.s32 $0x1B8E;
	s25 =	sld [smem:$0x3FFE];
	[sflag:s24] =	ssyncadd.s32 $0xFFFFFFFF  }
0x1d: {  	s27 =	simm.s32 $execute0_lowered;
	[smem:$0x3FD2] =	sst s26  }
0x1e: {  	s5 =	sshll.u32 s27, $0x1;
	_ =	strace $0x80000049;
	[dreg:$0x1] =	wrdreg $0xFFFFFFFF  }
0x1f: {  	s28 =	simm.s32 $_size_execute0_lowered;
	s3 =	sadd.s32 s3, s5;
	[dreg:$0x0] =	wrdreg $0x0  }
0x20: {  	s5 =	sshll.u32 s28, $0x1;
	[dreg:$0x2] =	wrdreg s3  }
0x21: {  	[dreg:$0x3] =	wrdreg s5  }
0x22: {  	[dreg:$0x4] =	wrdreg $0xC0  }
0x23: {  	_ =	task [dreg:s7], $0x5FFFF  }
0x24: {  	[dreg:$0x1] =	wrdreg $0xFFFFFFFF  }
0x25: {  	[dreg:$0x0] =	wrdreg $0x60  }
0x26: {  	[dreg:$0x2] =	wrdreg s25  }
0x27: {  	[dreg:$0x3] =	wrdreg s2  }
0x28: {  	[dreg:$0x4] =	wrdreg $0x9  }
0x29: {  	_ =	task.clear_ibuf [dreg:s7], $0x5FFFF;
	_ =	strace $0x90000049  }
0x2a: {  	s29 =	simm.s32 $0x9;
	_ =	strace $0x8000004B  }
0x2b: {  	_ =	swait.ge [sflag:s29], $0x1  }
0x2c: {  	[sflag:s29] =	ssyncadd.s32 $0xFFFFFFFF  }
0x2d: {  	_ =	strace $0x9000004B  }
0x2e: {  	_ =	sfence  }
0x2f: {  	s30 =	sld [smem:$0x0];
	_ =	sdelay $0x2  }
0x30: {  	s31 =	sshll.u32 s1, $0xD;
	s1 =	sshrl.u32 s1, $0x2  }
0x31: {  	s3 =	sand.u32 $0x4000, s31;
	s1 =	sadd.s32 s1, s30  }
0x32: {  	s0 =	sor.u32 s3, s0;
	s1 =	sshll.u32 s1, $0x11  }
0x33: {  	s0 =	sor.u32 s1, s0  }
0x34: {  	s0 =	sadd.s32 $0x8F2B, s0  }
0x35: {  	[sflag:s0] =	ssyncadd.remote.s32 $0x1  }
0x36: {  	_ =	sfence.sel $0xFFFF  }
0x37: {  	[dreg:$0x0] =	wrdreg $0xFFFFFFFF;
	(pc) =	sbr.abs _section_cstart, $3  }
0x38: {  	[dreg:$0x1] =	wrdreg $0xFFFFFFFF  }
0x39: {  	_ =	task.clear_ibuf [dreg:s7], $0x2FFFF;
	_ =	strace $0x9FFFFFFF  }
0x3a: {  	(tm) =	ssettm $0x7FFFFFFF  }
0x3b: {  	_ =	shalt  }
tec
execute0_lowered:
.L_overlay_start_1:
0x0: {  	(tag) =	ssettag $0x1  }
0x1: {  	s0 =	srdreg.scid  }
0x2: {  	s1 =	sshll.u32 s0, $0x4  }
0x3: {  	s0 =	stileid.u32;
	s1 =	sand.u32 $0x10, s1  }
0x4: {  	s1 =	sor.u32 s0, s1  }
0x5: {  	s6 =	rddreg [dreg:$0x0];
	s4 =	simm.s32 $0x1;
	s2 =	sshll.u32 s1, $0x7  }
0x6: {  	s7 =	simm.s32 $0x2;
	s12 =	simm.s32 $0x0;
	s1 =	ssub.s32 $0x1000, s2  }
0x7: {  	s8 =	simm.s32 $0x8000;
	s13 =	simm.s32 $0x0;
	s3 =	sand.u32 $0xF80, s1  }
0x8: {  	s9 =	simm.s32 $0x0;
	s5 =	sshrl.u32 s1, $0xC;
	p0 =	sne.s32 s3, $0x0  }
.Ltmp0:
0x9: {  	s1 =	rddreg [dreg:$0x2];
	s4 =	simm.s32 @!p0 $0x0;
	(pc) =	sbr.rel .LBB1_1-.Ltmp0, $4  }
0xa: {  	s11 =	simm.s32 $0x0;
	s3 =	rddreg [dreg:$0x1];
	s5 =	sadd.s32 s4, s5  }
0xb: {  	_ =	strace $0x8000004A;
	s4 =	simm.s32 $0x1;
	s5 =	smul.u32 $0x32, s5  }
0xc: {  	s6 =	sadd.s32 $0xA00, s6;
	s10 =	smov.u32 s2;
	[sflag:s4] =	ssyncpa.u1 $0x0  }
0xd: {  	p0 =	por $0x0, $0x0;
	[sflag:s7] =	ssyncpa.u1 $0x0;
	s7 =	sor.u32 $0x1, s5  }
.LBB1_4:
0xe: {  	s16 =	sshll.u32 s13, $0x3;
	s17 =	sand.u32 $0x78, s13  }
0xf: {  	s30 =	sand.u32 $0x7E00, s13;
	s12 =	sshll.u32 s12, $0xF;
	s16 =	sand.u32 $0xC00, s16  }
0x10: {  	[tilespmem:s15+$0x810 ss:$0x81] =	vst.msk $0xffff, v2;
	s31 =	sand.u32 $0x7, s13;
	s16 =	sor.u32 s17, s16;
	s17 =	sadd.s32 s3, s30  }
0x11: {  	[tilespmem:s15+$0x1020 ss:$0x81] =	vst.msk $0xffff, v0;
	s13 =	sshll.u32 s31, $0x12;
	s12 =	sadd.s32 s12, s17;
	s16 =	sshrl.u32 s16, $0x3  }
0x12: {  	[tilespmem:s15+$0x0 ss:$0x81] =	vst.msk $0xffff, v1;
	s13 =	sor.u32 $0x400, s13;
	s12 =	sadd.s32 s16, s12  }
0x13: {  	[hbm4b:s12+s13] =	stream.strided.scatter [tilespmem:s14], [sflag:$0x2], $0x2000, s8, s13, $0x20;
	[tilespmem:$0x8080] =	vst v63  }
.LBB1_5:
0x14: {  	s14 =	sadd.s32 $0x1, s9  }
0x15: {  	s12 =	sadd.s32 $0x1000, s10;
	s16 =	smov.u32 s10;
	p2 =	sgt.s32 s14, $0x31  }
0x16: {  	s16 =	smov.u32 @p2 s12  }
0x17: {  	s14 =	simm.s32 @p2 $0x0;
	p2 =	sgt.s32 s16, $0xFFF  }
0x18: {  	s16 =	smov.u32 @p2 s2;
	p2 =	sne.s32 s11, s7  }
.Ltmp1:
0x19: {  	p1 =	slt.u32 s11, $0x2;
	(pc) =	sbr.rel @!p2 .LBB1_6-.Ltmp1, $4  }
0x1a: {  	s15 =	simm.s32 @!p1 $0x2  }
0x1b: {  	s13 =	smov.u32 s10;
	p0 =	por !p0, !p0;
	_ =	swait.ge @!p1 [sflag:s15], $0x2000  }
0x1c: {  	s12 =	smov.u32 s9;
	[sflag:s15] =	ssyncset.done @!p1 $0x0;
	s9 =	smov.u32 s14  }
0x1d: {  	s11 =	sadd.s32 $0x1, s11;
	[sflag:s15] =	ssyncadd.s32 @!p1 $0xFFFFE000;
	s10 =	smov.u32 s16  }
.LBB1_1:
0x1e: {  	p1 =	sge.u32 s11, s5  }
0x1f: {  	s14 =	sand.u32 @!p1 $0x1FFFFFF, s9  }
0x20: {  	s15 =	smulhi.u32 @!p1 $0x4924925, s14;
	_ =	sdelay $0x1  }
0x21: {  	s15 =	smul.u32 @!p1 $0x38, s15  }
0x22: {  	s16 =	sxor.u32 @!p1 $0xFFFFFFFF, s11;
	s17 =	smul.u32 @!p1 $0x380, s10  }
0x23: {  	s31 =	sadd.s32 $0xFFFFFFFF, s11;
	s16 =	sshll.u32 @!p1 s16, $0xD;
	s14 =	ssub.s32 @!p1 s14, s15  }
0x24: {  	s15 =	sand.u32 @!p1 $0x2000, s16;
	s16 =	sadd.s32 @!p1 s6, s17;
	s14 =	sshll.u32 @!p1 s14, $0x4  }
0x25: {  	s17 =	simm.s32 @!p1 $0x1C00;
	s14 =	sadd.s32 @!p1 s14, s16;
	s16 =	simm.s32 @!p1 $0x40  }
0x26: {  	[tilespmem:s15], [sflag:$0x1] =	stream.strided.gather @!p1 [hbm4b:s14+s16], $0x2000, s17, s16, $0x38;
	[tilespmem:$0x8080] =	vst v63  }
0x27: {  	p1 =	sge.u32 s31, s5  }
.Ltmp2:
0x28: {  	_ = 	snop;
	(pc) =	sbr.rel @p1 .LBB1_5-.Ltmp2, $1  }
0x29: {  	_ =	sdelay $0x3  }
0x2a: {  	s14 =	simm.s32 $0x1  }
0x2b: {  	_ =	swait.ge [sflag:s4], $0x2000;
	s14 =	simm.s32 @!p0 $0x0  }
0x2c: {  	[sflag:s4] =	ssyncset.done $0x0;
	s15 =	sshll.u32 s14, $0xD  }
0x2d: {  	[sflag:s4] =	ssyncadd.s32 $0xFFFFE000;
	s18 =	sor.u32 $0x20, s15  }
0x2e: {  	s14 =	smul.u32 $0x8100, s14;
	v3 =	vld [tilespmem:s18+$0x10]  }
0x2f: {  	s30 =	sand.u32 $0x1, s11;
	v2 =	vld [tilespmem:s18+$0xFFFFFFF0]  }
0x30: {  	s15 =	smul.u32 $0x8100, s30;
	s14 =	sshrl.u32 s14, $0x2;
	v0 =	vld [tilespmem:s18+$0x0]  }
0x31: {  	v1 =	vld [tilespmem:s18+$0xFFFFFFE0];
	s16 =	sor.u32 $0x4000, s14  }
0x32: {  	s31 =	sshrl.u32 s15, $0x2;
	s15 =	sadd.s32 $0x0, s16  }
0x33: {  	s17 =	simm.s32 $0x4;
	s18 =	sadd.s32 $0x40, s18;
	s14 =	sor.u32 $0x4000, s31;
	[tilespmem:s15+$0x1830 ss:$0x81] =	vst.msk $0xffff, v3  }
.LBB1_3:
0x34: {  	v3 =	vld [tilespmem:s18+$0x10];
	p1 =	sne.s32 s17, $0x1FC;
	[tilespmem:s15+$0x810 ss:$0x81] =	vst.msk $0xffff, v2;
	s19 =	smov.u32 s17;
	s17 =	sadd.s32 $0x4, s17  }
.Ltmp3:
0x35: {  	v2 =	vld [tilespmem:s18+$0xFFFFFFF0];
	[tilespmem:s15+$0x1020 ss:$0x81] =	vst.msk $0xffff, v0;
	(pc) =	sbr.rel @p1 .LBB1_3-.Ltmp3, $4  }
0x36: {  	v0 =	vld [tilespmem:s18+$0x0];
	[tilespmem:s15+$0x0 ss:$0x81] =	vst.msk $0xffff, v1  }
0x37: {  	s15 =	sshra.s32 s19, $0x2;
	v1 =	vld [tilespmem:s18+$0xFFFFFFE0]  }
0x38: {  	s15 =	sadd.s32 s15, s16  }
0x39: {  	s18 =	sadd.s32 $0x40, s18;
	[tilespmem:s15+$0x1830 ss:$0x81] =	vst.msk $0xffff, v3  }
.Ltmp4:
0x3a: {  	_ = 	snop;
	(pc) =	sbr.rel .LBB1_4-.Ltmp4, $1  }
0x3b: {  	_ =	sdelay $0x3  }
.LBB1_6:
0x3c: {  	_ =	sfence.sel $0x180000  }
0x3d: {  	s2 =	simm.s32 $0x1;
	[bflag:$0x0] =	sbarrier.arrive $0xFFFF  }
0x3e: {  	s31 =	simm.s32 $0x2;
	[sflag:s2] =	ssyncpa.u1 $0x1  }
0x3f: {  	[sflag:s31] =	ssyncpa.u1 $0x1  }
0x40: {  	p0 =	sne.s32 s0, $0x0;
	_ =	strace $0x9000004A  }
0x41: {  	s0 =	sadd.s32 @!p0 $0x100000, s1;
	[bflag:$0x2] =	sbarrier.arrive $0xFFFF  }
0x42: {  	[sflag:s0] =	ssyncadd.tile.s32 @!p0 $0x1;
	_ =	shalt  }
.Lfunc_end1:
_tile_overlayer_lowered:
.L_overlay_start_2:
0x43: {  	(tag) =	ssettag $0x2  }
0x44: {  	s0 =	rddreg [dreg:$0x0];
	s2 =	stileid.u32  }
0x45: {  	s1 =	rddreg [dreg:$0x1];
	p0 =	sne.s32 s2, $0x0  }
0x46: {  	s3 =	rddreg [dreg:$0x2];
	[bflag:$0x3] =	sbarrier.arrive $0xFFFF;
	s2 =	simm.s32 @!p0 $0x1C01  }
0x47: {  	[timem:s3], [sflag:s2] =	dma.local @!p0 [hbm:s0], s1  }
0x48: {  	s0 =	simm.s32 @!p0 $0x1  }
0x49: {  	_ =	swait.ge @!p0 [sflag:s0], s1  }
0x4a: {  	s1 =	ssub.s32 @!p0 $0x0, s1;
	[sflag:s0] =	ssyncset.done @!p0 $0x0  }
0x4b: {  	[sflag:s0] =	ssyncadd.s32 @!p0 s1  }
0x4c: {  	[bflag:$0x3] =	sbarrier.arrive $0xFFFF  }
0x4d: {  	_ =	shalt  }

</sc_bundles>
